<compile_context>
chip_gen: v7x
topology: tpu7x:2x2x1
jax: 0.10.2.dev20260603
libtpu: 0.0.44.dev20260713+nightly
codegen_flags: <defaults>
</compile_context>

<pallas_src>
import functools

import jax
import jax.numpy as jnp
from jax import lax
from jax.experimental import pallas as pl
from jax.experimental.pallas import tpu as pltpu
from jax.experimental.pallas import tpu_sc as plsc

_NC = 2
_NS = 16
_L = 16
_NW = _NC * _NS
_KB = 2000


def _sc_mesh():
    return plsc.VectorSubcoreMesh(
        core_axis_name="c", subcore_axis_name="s", num_cores=_NC, num_subcores=_NS
    )


def _sc_degree(row, w, npad, epw):
    zch = npad // _NS

    @functools.partial(
        pl.kernel,
        out_type=jax.ShapeDtypeStruct((_NC, npad), jnp.float32),
        mesh=_sc_mesh(),
        scratch_types=[
            pltpu.VMEM((epw,), jnp.int32),
            pltpu.VMEM((epw,), jnp.float32),
            pltpu.VMEM_SHARED((npad,), jnp.float32),
        ],
    )
    def deg_kernel(row_h, w_h, z_h, out_h, row_v, w_v, deg_sh):
        cid = lax.axis_index("c")
        sid = lax.axis_index("s")
        wid = cid * _NS + sid
        base = wid * epw
        pltpu.sync_copy(z_h, deg_sh.at[pl.ds(sid * zch, zch)])
        plsc.subcore_barrier()
        pltpu.sync_copy(row_h.at[pl.ds(base, epw)], row_v)
        pltpu.sync_copy(w_h.at[pl.ds(base, epw)], w_v)
        pltpu.sync_copy(w_v, deg_sh.at[row_v], add=True)
        plsc.subcore_barrier()
        pltpu.sync_copy(deg_sh.at[pl.ds(sid * zch, zch)], out_h.at[cid, pl.ds(sid * zch, zch)])

    zeros = jnp.zeros((zch,), jnp.float32)
    return deg_kernel(row, w, zeros)


def _sc_edge_pass(row, col, w, dis, labx, npad, ept, wtrows):
    hw = npad // 2
    wtsize = wtrows * hw
    zb = wtsize // _NS
    nwin = ept // _KB
    nown = wtrows - 1

    @functools.partial(
        pl.kernel,
        out_type=jax.ShapeDtypeStruct((_NC, 2, wtsize), jnp.float32),
        mesh=_sc_mesh(),
        scratch_types=[
            pltpu.VMEM((npad,), jnp.float32),
            pltpu.VMEM((npad,), jnp.int32),
            pltpu.VMEM((_KB,), jnp.int32),
            pltpu.VMEM((_KB,), jnp.int32),
            pltpu.VMEM((_KB,), jnp.float32),
            pltpu.VMEM((_KB,), jnp.float32),
            pltpu.VMEM((_KB,), jnp.int32),
            pltpu.VMEM_SHARED((wtsize,), jnp.float32),
        ],
        compiler_params=pltpu.CompilerParams(needs_layout_passes=False),
    )
    def edge_kernel(row_h, col_h, w_h, dis_h, labx_h, z_h, out_h,
                    dis_t, labx_t, row_v, col_v, w_v, val_v, idx_v, wt_sh):
        cid = lax.axis_index("c")
        sid = lax.axis_index("s")
        base = sid * ept
        cls0 = cid * nown
        pltpu.sync_copy(dis_h, dis_t)
        pltpu.sync_copy(labx_h, labx_t)

        for ph in range(2):
            pltpu.sync_copy(z_h, wt_sh.at[pl.ds(sid * zb, zb)])
            plsc.subcore_barrier()

            def win_body(wi, carry):
                off = base + wi * _KB
                pltpu.sync_copy(row_h.at[pl.ds(off, _KB)], row_v)
                pltpu.sync_copy(col_h.at[pl.ds(off, _KB)], col_v)
                pltpu.sync_copy(w_h.at[pl.ds(off, _KB)], w_v)

                def cbody(i, c2):
                    s = pl.ds(i * _L, _L)
                    r = row_v[s]
                    c = col_v[s]
                    wv = w_v[s]
                    dr = plsc.load_gather(dis_t, [r])
                    dc = plsc.load_gather(dis_t, [c])
                    lb = plsc.load_gather(labx_t, [r])
                    rel = lb - cls0
                    inphase = (c >= ph * hw) & (c < ph * hw + hw)
                    use = (rel >= 0) & (rel < nown) & inphase
                    lrow = jnp.where(use, rel, nown)
                    lcol = jnp.where(c >= hw, c - hw, c)
                    val_v[s] = dr * wv * dc
                    idx_v[s] = lrow * hw + lcol
                    return c2

                lax.fori_loop(0, _KB // _L, cbody, 0)
                pltpu.sync_copy(val_v, wt_sh.at[idx_v], add=True)
                return carry

            lax.fori_loop(0, nwin, win_body, 0)
            plsc.subcore_barrier()
            pltpu.sync_copy(
                wt_sh.at[pl.ds(sid * zb, zb)],
                out_h.at[cid, ph, pl.ds(sid * zb, zb)],
            )

    zeros = jnp.zeros((zb,), jnp.float32)
    return edge_kernel(row, col, w, dis, labx, zeros)


def _tc_prep(deg_a, deg_b, y3, maskf, ncls):

    def body(deg_a_ref, deg_b_ref, y3_ref, m_ref, dis_ref, labx_ref):
        deg = deg_a_ref[...] + deg_b_ref[...]
        dis = jnp.where(deg > 0, lax.rsqrt(jnp.maximum(deg, 1e-12)), 0.0)
        dis_ref[...] = dis
        lab = jnp.zeros_like(deg)
        for c in range(1, ncls):
            lab = lab + float(c) * y3_ref[c]
        labx_ref[...] = jnp.where(m_ref[...] > 0.5, lab.astype(jnp.int32), ncls)

    return pl.pallas_call(
        body,
        out_shape=(
            jax.ShapeDtypeStruct(deg_a.shape, jnp.float32),
            jax.ShapeDtypeStruct(deg_a.shape, jnp.int32),
        ),
    )(deg_a, deg_b, y3, maskf)


def _tc_final(wt_full, x_t, y_t, m_t, ncls):

    def body(wt_ref, xt_ref, yt_ref, mt_ref, h_ref):
        x = xt_ref[...]
        xm = jnp.max(x, axis=0, keepdims=True)
        e = jnp.exp(x - xm)
        probs = e / jnp.sum(e, axis=0, keepdims=True)
        m = mt_ref[...]
        yv = yt_ref[...]
        mixed = probs * (1.0 - m) + yv * m
        counts = jnp.sum(yv * m, axis=1, keepdims=True)
        wt = wt_ref[...]
        sums = lax.dot_general(
            wt, mixed, (((1,), (1,)), ((), ())),
            preferred_element_type=jnp.float32,
        )
        h = sums[:ncls, :] / counts
        hn = jnp.isnan(h)
        h = jnp.where(hn, h.T, h)
        hn = jnp.isnan(h)
        h = jnp.where(hn, 0.0, h)
        miss = (1.0 - jnp.sum(h, axis=1, keepdims=True)) / jnp.sum(
            hn.astype(jnp.float32), axis=1, keepdims=True
        )
        h = jnp.where(hn, miss, h)

        def one(i, hh):
            hh = hh / jnp.sum(hh, axis=0, keepdims=True)
            hh = hh / jnp.sum(hh, axis=1, keepdims=True)
            return hh

        def chunk(state):
            hh, it = state
            return lax.fori_loop(0, 60, one, hh), it + 60

        def cond(state):
            hh, it = state
            err = jnp.max(jnp.abs(jnp.sum(hh, axis=0) - 1.0))
            return jnp.logical_and(it < 3000, err > 5e-7)

        h, _ = lax.while_loop(cond, chunk, (h, jnp.int32(0)))
        h_ref[...] = h

    return pl.pallas_call(
        body,
        out_shape=jax.ShapeDtypeStruct((ncls, ncls), jnp.float32),
    )(wt_full, x_t, y_t, m_t)


def kernel(edge_index, edge_weight, y, inputs, sample_mask):
    n, ncls = inputs.shape
    e = edge_index.shape[1]

    npad = -(-n // 2048) * 2048
    nown = -(-(ncls + 1) // _NC)
    wtrows = nown + 1

    row = edge_index[0]
    col = edge_index[1]
    w = edge_weight

    grain = _NS * _KB
    epad = -(-e // grain) * grain
    if epad != e:
        pad = epad - e
        row = jnp.pad(row, (0, pad))
        col = jnp.pad(col, (0, pad))
        w = jnp.pad(w, (0, pad))
    epw = epad // _NW
    ept = epad // _NS

    deg2 = _sc_degree(row, w, npad, epw)

    rows128 = npad // 128
    maskf = jnp.pad(sample_mask.astype(jnp.float32), (0, npad - n))
    y_tp = jnp.pad(y, ((0, npad - n), (0, 0))).T
    y3 = y_tp.reshape(ncls, rows128, 128)
    dis, labx = _tc_prep(
        deg2[0].reshape(rows128, 128),
        deg2[1].reshape(rows128, 128),
        y3,
        maskf.reshape(rows128, 128),
        ncls,
    )

    wt2 = _sc_edge_pass(
        row, col, w, dis.reshape(npad), labx.reshape(npad), npad, ept, wtrows
    )
    hw = npad // 2
    wt_a = jnp.concatenate(
        [wt2[0, 0].reshape(wtrows, hw), wt2[0, 1].reshape(wtrows, hw)], axis=1
    )
    wt_b = jnp.concatenate(
        [wt2[1, 0].reshape(wtrows, hw), wt2[1, 1].reshape(wtrows, hw)], axis=1
    )
    wt_full = jnp.concatenate([wt_a[:nown], wt_b[: ncls + 1 - nown]], axis=0)

    x_tp = jnp.pad(inputs, ((0, npad - n), (0, 0))).T
    h = _tc_final(
        wt_full,
        x_tp,
        y_tp,
        maskf.reshape(1, npad),
        ncls,
    )
    return h

# --- scband reference (transcript-rebuilt; emitter-appended) ---
"""Pipeline reference for scband-compatibility-layer-58643483459745 (READ-ONLY COPY).

The authoritative reference and input builder live on the scoring server;
editing this copy changes nothing except your own understanding.
"""

import jax, jax.numpy as jnp
import numpy as np

N = 50000
E = 1600000
C = 16


def _normalize_sparse(edge_index, edge_weight, n):
    # D^{-1/2} A D^{-1/2} normalization of the sparse adjacency (normalize_sparse_tensor)
    row = edge_index[0]
    col = edge_index[1]
    deg = jax.ops.segment_sum(edge_weight, row, num_segments=n)
    d_inv_sqrt = jnp.where(deg > 0, jax.lax.rsqrt(jnp.maximum(deg, 1e-12)), 0.0)
    return d_inv_sqrt[row] * edge_weight * d_inv_sqrt[col]


def _make_double_stochastic(H, iters=3000):
    # The torch convergence check (||H||_1 < 1e-12) never fires for a
    # (row/col)-normalized C x C matrix, so the loop always runs max_iterations.
    def step(h, _):
        h = h / jnp.sum(h, axis=0, keepdims=True)
        h = h / jnp.sum(h, axis=1, keepdims=True)
        return h, None
    H, _ = jax.lax.scan(step, H, None, length=iters)
    return H


def setup_inputs(seed: int = 0) -> dict:
    key = jax.random.key(seed)
    k1, k2, k3, k4, k5 = jax.random.split(key, 5)
    edge_index = jax.random.randint(k1, (2, E), 0, N).astype(jnp.int32)
    edge_weight = jax.random.uniform(k2, (E,), dtype=jnp.float32) + 0.1
    labels = jax.random.randint(k3, (N,), 0, C)
    y = jax.nn.one_hot(labels, C, dtype=jnp.float32)
    inputs = jax.random.normal(k4, (N, C), dtype=jnp.float32)
    sample_mask = jax.random.bernoulli(k5, 0.5, (N,))
    return {"edge_index": edge_index, "edge_weight": edge_weight, "y": y, "inputs": inputs, "sample_mask": sample_mask}


def reference(edge_index, edge_weight, y, inputs, sample_mask):
    n = inputs.shape[0]
    row = edge_index[0]
    col = edge_index[1]
    vals = _normalize_sparse(edge_index, edge_weight, n)
    probs = jax.nn.softmax(inputs, axis=1)
    m = sample_mask.astype(jnp.float32)[:, None]
    mixed = probs * (1.0 - m) + y * m
    y_m = y * m
    # nodeH = raw_normed_adj @ mixed  (sparse matmul: gather + scatter-add)
    nodeH = jax.ops.segment_sum(vals[:, None] * jnp.take(mixed, col, axis=0), row, num_segments=n)
    # per-class mean of nodeH over nodes where y_m[:, i] is nonzero
    sel = (y_m > 0).astype(nodeH.dtype)  # (n, C)
    sums = sel.T @ nodeH                 # (C, C)
    counts = jnp.sum(sel, axis=0)[:, None]
    H = sums / counts                    # 0/0 -> nan matches torch mean of empty slice
    H_nan = jnp.isnan(H)
    H = jnp.where(H_nan, H.T, H)
    H_nan = jnp.isnan(H)
    H = jnp.where(H_nan, 0.0, H)
    H_miss = 1.0 - jnp.sum(H, axis=1, keepdims=True)
    H_miss = H_miss / jnp.sum(H_nan.astype(jnp.float32), axis=1, keepdims=True)
    H = jnp.where(H_nan, H_miss, H)
    H = _make_double_stochastic(H, iters=3000)
    return H

if __name__ == "__main__":
    import jax
    _d = setup_inputs()
    print(jax.jit(kernel)(*tuple(_d.values())))

</pallas_src>

<mosaic_0001>
#map = affine_map<(d0, d1) -> (0)>
#map1 = affine_map<(d0, d1) -> (0, 0, 0)>
module attributes {stable_mosaic.version = 14 : i64} {
  func.func @edge_kernel(%arg0: i32, %arg1: i32, %arg2: memref<1600000xi32, #tpu.memory_space<hbm>>, %arg3: memref<1600000xi32, #tpu.memory_space<hbm>>, %arg4: memref<1600000xf32, #tpu.memory_space<hbm>>, %arg5: memref<51200xf32, #tpu.memory_space<hbm>>, %arg6: memref<51200xi32, #tpu.memory_space<hbm>>, %arg7: memref<16000xf32, #tpu.memory_space<hbm>>, %arg8: memref<2x2x256000xf32, #tpu.memory_space<hbm>>, %arg9: memref<51200xf32, #tpu.memory_space<vmem>>, %arg10: memref<51200xi32, #tpu.memory_space<vmem>>, %arg11: memref<2000xi32, #tpu.memory_space<vmem>>, %arg12: memref<2000xi32, #tpu.memory_space<vmem>>, %arg13: memref<2000xf32, #tpu.memory_space<vmem>>, %arg14: memref<2000xf32, #tpu.memory_space<vmem>>, %arg15: memref<2000xi32, #tpu.memory_space<vmem>>, %arg16: memref<256000xf32, #tpu.memory_space<vmem_shared>>) attributes {dimension_semantics = [#tpu.dimension_semantics<core_parallel>, #tpu.dimension_semantics<subcore_parallel>], iteration_bounds = array<i64: 2, 16>, scalar_prefetch = 0 : i64, scratch_operands = 8 : i64, tpu.core_type = #tpu.core_type<sc_vector_subcore>, window_params = [{transform_indices = #map}, {transform_indices = #map}, {transform_indices = #map}, {transform_indices = #map}, {transform_indices = #map}, {transform_indices = #map}, {transform_indices = #map1}]} {
    %mul3A = arith.constant 100000 : i32
    %mul3A_0 = arith.muli %arg1, %mul3A : i32
    %mul3A_1 = arith.constant 9 : i32
    %mul3A_2 = arith.muli %arg0, %mul3A_1 : i32
    "tpu.region"() ({
      %run_scoped3A_30 = tpu.sem_alloc : memref<!tpu.dma_semaphore, #tpu.memory_space<semaphore_mem>>
      tpu.enqueue_dma source(%arg5 : memref<51200xf32, #tpu.memory_space<hbm>>) target(%arg9 : memref<51200xf32, #tpu.memory_space<vmem>>) target_semaphore(%run_scoped3A_30 : memref<!tpu.dma_semaphore, #tpu.memory_space<semaphore_mem>>)
      tpu.wait_dma2 semaphore(%run_scoped3A_30 : memref<!tpu.dma_semaphore, #tpu.memory_space<semaphore_mem>>) src(%arg5 : memref<51200xf32, #tpu.memory_space<hbm>>) dst(%arg9 : memref<51200xf32, #tpu.memory_space<vmem>>)
      tpu.yield
    }) : () -> ()
    "tpu.region"() ({
      %run_scoped3A_30 = tpu.sem_alloc : memref<!tpu.dma_semaphore, #tpu.memory_space<semaphore_mem>>
      tpu.enqueue_dma source(%arg6 : memref<51200xi32, #tpu.memory_space<hbm>>) target(%arg10 : memref<51200xi32, #tpu.memory_space<vmem>>) target_semaphore(%run_scoped3A_30 : memref<!tpu.dma_semaphore, #tpu.memory_space<semaphore_mem>>)
      tpu.wait_dma2 semaphore(%run_scoped3A_30 : memref<!tpu.dma_semaphore, #tpu.memory_space<semaphore_mem>>) src(%arg6 : memref<51200xi32, #tpu.memory_space<hbm>>) dst(%arg10 : memref<51200xi32, #tpu.memory_space<vmem>>)
      tpu.yield
    }) : () -> ()
    %mul3A_3 = arith.constant 16000 : i32
    %mul3A_4 = arith.muli %arg1, %mul3A_3 : i32
    "tpu.region"() ({
      %run_scoped3A_30 = tpu.sem_alloc : memref<!tpu.dma_semaphore, #tpu.memory_space<semaphore_mem>>
      %dma_start3A = tpu.memref_slice %arg16[%mul3A_4] : memref<256000xf32, #tpu.memory_space<vmem_shared>> -> memref<16000xf32, #tpu.memory_space<vmem_shared>>
      tpu.enqueue_dma source(%arg7 : memref<16000xf32, #tpu.memory_space<hbm>>) target(%dma_start3A : memref<16000xf32, #tpu.memory_space<vmem_shared>>) target_semaphore(%run_scoped3A_30 : memref<!tpu.dma_semaphore, #tpu.memory_space<semaphore_mem>>)
      %dma_wait3A = tpu.memref_slice %arg16[%mul3A_4] : memref<256000xf32, #tpu.memory_space<vmem_shared>> -> memref<16000xf32, #tpu.memory_space<vmem_shared>>
      tpu.wait_dma2 semaphore(%run_scoped3A_30 : memref<!tpu.dma_semaphore, #tpu.memory_space<semaphore_mem>>) src(%arg7 : memref<16000xf32, #tpu.memory_space<hbm>>) dst(%dma_wait3A : memref<16000xf32, #tpu.memory_space<vmem_shared>>)
      tpu.yield
    }) : () -> ()
    %barrier3A = arith.constant 0 : index
    tpu.barrier barrier_id(%barrier3A)
    %scan3A = arith.constant 0 : i32
    %scan3A_5 = arith.constant 0 : i32
    %scan3A_6 = arith.constant 50 : i32
    %scan3A_7 = arith.addi %scan3A_5, %scan3A_6 : i32
    %scan3A_8 = arith.constant 1 : i32
    scf.for %scan3A_30 = %scan3A_5 to %scan3A_7 step %scan3A_8  : i32 {
      %mul3A_31 = arith.constant 2000 : i32
      %mul3A_32 = arith.muli %scan3A_30, %mul3A_31 : i32
      %add3A = arith.addi %mul3A_0, %mul3A_32 : i32
      "tpu.region"() ({
        %run_scoped3A_39 = tpu.sem_alloc : memref<!tpu.dma_semaphore, #tpu.memory_space<semaphore_mem>>
        %dma_start3A = tpu.memref_slice %arg2[%add3A] : memref<1600000xi32, #tpu.memory_space<hbm>> -> memref<2000xi32, #tpu.memory_space<hbm>>
        %dma_start3A_40 = tpu.memref_slice %arg2[%add3A] : memref<1600000xi32, #tpu.memory_space<hbm>> -> memref<2000xi32, #tpu.memory_space<hbm>>
        tpu.enqueue_dma source(%dma_start3A_40 : memref<2000xi32, #tpu.memory_space<hbm>>) target(%arg11 : memref<2000xi32, #tpu.memory_space<vmem>>) target_semaphore(%run_scoped3A_39 : memref<!tpu.dma_semaphore, #tpu.memory_space<semaphore_mem>>)
        %dma_wait3A = tpu.memref_slice %arg2[%add3A] : memref<1600000xi32, #tpu.memory_space<hbm>> -> memref<2000xi32, #tpu.memory_space<hbm>>
        %dma_wait3A_41 = tpu.memref_slice %arg2[%add3A] : memref<1600000xi32, #tpu.memory_space<hbm>> -> memref<2000xi32, #tpu.memory_space<hbm>>
        tpu.wait_dma2 semaphore(%run_scoped3A_39 : memref<!tpu.dma_semaphore, #tpu.memory_space<semaphore_mem>>) src(%dma_wait3A_41 : memref<2000xi32, #tpu.memory_space<hbm>>) dst(%arg11 : memref<2000xi32, #tpu.memory_space<vmem>>)
        tpu.yield
      }) : () -> ()
      "tpu.region"() ({
        %run_scoped3A_39 = tpu.sem_alloc : memref<!tpu.dma_semaphore, #tpu.memory_space<semaphore_mem>>
        %dma_start3A = tpu.memref_slice %arg3[%add3A] : memref<1600000xi32, #tpu.memory_space<hbm>> -> memref<2000xi32, #tpu.memory_space<hbm>>
        %dma_start3A_40 = tpu.memref_slice %arg3[%add3A] : memref<1600000xi32, #tpu.memory_space<hbm>> -> memref<2000xi32, #tpu.memory_space<hbm>>
        tpu.enqueue_dma source(%dma_start3A_40 : memref<2000xi32, #tpu.memory_space<hbm>>) target(%arg12 : memref<2000xi32, #tpu.memory_space<vmem>>) target_semaphore(%run_scoped3A_39 : memref<!tpu.dma_semaphore, #tpu.memory_space<semaphore_mem>>)
        %dma_wait3A = tpu.memref_slice %arg3[%add3A] : memref<1600000xi32, #tpu.memory_space<hbm>> -> memref<2000xi32, #tpu.memory_space<hbm>>
        %dma_wait3A_41 = tpu.memref_slice %arg3[%add3A] : memref<1600000xi32, #tpu.memory_space<hbm>> -> memref<2000xi32, #tpu.memory_space<hbm>>
        tpu.wait_dma2 semaphore(%run_scoped3A_39 : memref<!tpu.dma_semaphore, #tpu.memory_space<semaphore_mem>>) src(%dma_wait3A_41 : memref<2000xi32, #tpu.memory_space<hbm>>) dst(%arg12 : memref<2000xi32, #tpu.memory_space<vmem>>)
        tpu.yield
      }) : () -> ()
      "tpu.region"() ({
        %run_scoped3A_39 = tpu.sem_alloc : memref<!tpu.dma_semaphore, #tpu.memory_space<semaphore_mem>>
        %dma_start3A = tpu.memref_slice %arg4[%add3A] : memref<1600000xf32, #tpu.memory_space<hbm>> -> memref<2000xf32, #tpu.memory_space<hbm>>
        %dma_start3A_40 = tpu.memref_slice %arg4[%add3A] : memref<1600000xf32, #tpu.memory_space<hbm>> -> memref<2000xf32, #tpu.memory_space<hbm>>
        tpu.enqueue_dma source(%dma_start3A_40 : memref<2000xf32, #tpu.memory_space<hbm>>) target(%arg13 : memref<2000xf32, #tpu.memory_space<vmem>>) target_semaphore(%run_scoped3A_39 : memref<!tpu.dma_semaphore, #tpu.memory_space<semaphore_mem>>)
        %dma_wait3A = tpu.memref_slice %arg4[%add3A] : memref<1600000xf32, #tpu.memory_space<hbm>> -> memref<2000xf32, #tpu.memory_space<hbm>>
        %dma_wait3A_41 = tpu.memref_slice %arg4[%add3A] : memref<1600000xf32, #tpu.memory_space<hbm>> -> memref<2000xf32, #tpu.memory_space<hbm>>
        tpu.wait_dma2 semaphore(%run_scoped3A_39 : memref<!tpu.dma_semaphore, #tpu.memory_space<semaphore_mem>>) src(%dma_wait3A_41 : memref<2000xf32, #tpu.memory_space<hbm>>) dst(%arg13 : memref<2000xf32, #tpu.memory_space<vmem>>)
        tpu.yield
      }) : () -> ()
      %scan3A_33 = arith.constant 0 : i32
      %scan3A_34 = arith.constant 0 : i32
      %scan3A_35 = arith.constant 125 : i32
      %scan3A_36 = arith.addi %scan3A_34, %scan3A_35 : i32
      %scan3A_37 = arith.constant 1 : i32
      scf.for %scan3A_39 = %scan3A_34 to %scan3A_36 step %scan3A_37  : i32 {
        %mul3A_40 = arith.constant 16 : i32
        %mul3A_41 = arith.muli %scan3A_39, %mul3A_40 : i32
        %get3A = arith.index_cast %mul3A_41 : i32 to index
        %get3A_42 = tpu.vector_load %arg11[%get3A] {strides = array<i32>} : memref<2000xi32, #tpu.memory_space<vmem>>, vector<16xi32>,
        %get3A_43 = arith.index_cast %mul3A_41 : i32 to index
        %get3A_44 = tpu.vector_load %arg12[%get3A_43] {strides = array<i32>} : memref<2000xi32, #tpu.memory_space<vmem>>, vector<16xi32>,
        %get3A_45 = arith.index_cast %mul3A_41 : i32 to index
        %get3A_46 = tpu.vector_load %arg13[%get3A_45] {strides = array<i32>} : memref<2000xf32, #tpu.memory_space<vmem>>, vector<16xf32>,
        %gather3A = tpu.vector_load_idx %arg9[%get3A_42] : memref<51200xf32, #tpu.memory_space<vmem>>[vector<16xi32>], vector<16xf32>,
        %gather3A_47 = tpu.vector_load_idx %arg9[%get3A_44] : memref<51200xf32, #tpu.memory_space<vmem>>[vector<16xi32>], vector<16xf32>,
        %gather3A_48 = tpu.vector_load_idx %arg10[%get3A_42] : memref<51200xi32, #tpu.memory_space<vmem>>[vector<16xi32>], vector<16xi32>,
        %sub3A = vector.broadcast %mul3A_2 : i32 to vector<16xi32>
        %sub3A_49 = arith.subi %gather3A_48, %sub3A : vector<16xi32>
        %ge3A = arith.constant 0 : i32
        %ge3A_50 = vector.broadcast %ge3A : i32 to vector<16xi32>
        %ge3A_51 = arith.cmpi sge, %get3A_44, %ge3A_50 : vector<16xi32>
        %lt3A = arith.constant 25600 : i32
        %lt3A_52 = vector.broadcast %lt3A : i32 to vector<16xi32>
        %lt3A_53 = arith.cmpi slt, %get3A_44, %lt3A_52 : vector<16xi32>
        %and3A = arith.andi %ge3A_51, %lt3A_53 : vector<16xi1>
        %ge3A_54 = arith.constant 0 : i32
        %ge3A_55 = vector.broadcast %ge3A_54 : i32 to vector<16xi32>
        %ge3A_56 = arith.cmpi sge, %sub3A_49, %ge3A_55 : vector<16xi32>
        %lt3A_57 = arith.constant 9 : i32
        %lt3A_58 = vector.broadcast %lt3A_57 : i32 to vector<16xi32>
        %lt3A_59 = arith.cmpi slt, %sub3A_49, %lt3A_58 : vector<16xi32>
        %and3A_60 = arith.andi %ge3A_56, %lt3A_59 : vector<16xi1>
        %and3A_61 = arith.andi %and3A_60, %and3A : vector<16xi1>
        %jit3A = arith.constant 9 : i32
        %broadcast_in_dim3A = vector.broadcast %jit3A : i32 to vector<16xi32>
        %select_n3A = arith.select %and3A_61, %sub3A_49, %broadcast_in_dim3A : vector<16xi1>, vector<16xi32>
        %ge3A_62 = arith.constant 25600 : i32
        %ge3A_63 = vector.broadcast %ge3A_62 : i32 to vector<16xi32>
        %ge3A_64 = arith.cmpi sge, %get3A_44, %ge3A_63 : vector<16xi32>
        %sub3A_65 = arith.constant 25600 : i32
        %sub3A_66 = vector.broadcast %sub3A_65 : i32 to vector<16xi32>
        %sub3A_67 = arith.subi %get3A_44, %sub3A_66 : vector<16xi32>
        %select_n3A_68 = arith.select %ge3A_64, %sub3A_67, %get3A_44 : vector<16xi1>, vector<16xi32>
        %mul3A_69 = arith.mulf %gather3A, %get3A_46 : vector<16xf32>
        %mul3A_70 = arith.mulf %mul3A_69, %gather3A_47 : vector<16xf32>
        %swap3A = arith.index_cast %mul3A_41 : i32 to index
        %swap3A_71 = tpu.vector_load %arg14[%swap3A] {strides = array<i32>} : memref<2000xf32, #tpu.memory_space<vmem>>, vector<16xf32>,
        tpu.vector_store %arg14[%swap3A], %mul3A_70 {strides = array<i32>} : memref<2000xf32, #tpu.memory_space<vmem>>, vector<16xf32>,
        %mul3A_72 = arith.constant 25600 : i32
        %mul3A_73 = vector.broadcast %mul3A_72 : i32 to vector<16xi32>
        %mul3A_74 = arith.muli %select_n3A, %mul3A_73 : vector<16xi32>
        %add3A_75 = arith.addi %mul3A_74, %select_n3A_68 : vector<16xi32>
        %swap3A_76 = arith.index_cast %mul3A_41 : i32 to index
        %swap3A_77 = tpu.vector_load %arg15[%swap3A_76] {strides = array<i32>} : memref<2000xi32, #tpu.memory_space<vmem>>, vector<16xi32>,
        tpu.vector_store %arg15[%swap3A_76], %add3A_75 {strides = array<i32>} : memref<2000xi32, #tpu.memory_space<vmem>>, vector<16xi32>,
      }
      %scan3A_38 = arith.constant 125 : i32
      "tpu.region"() ({
        %run_scoped3A_39 = tpu.sem_alloc : memref<!tpu.dma_semaphore, #tpu.memory_space<semaphore_mem>>
        %dma_start3A = arith.constant 0 : i32
        %dma_start3A_40 = tpu.memref_slice %arg16[%dma_start3A] : memref<256000xf32, #tpu.memory_space<vmem_shared>> -> memref<256000xf32, #tpu.memory_space<vmem_shared>>
        tpu.enqueue_indirect_dma source(%arg14 : memref<2000xf32, #tpu.memory_space<vmem>>) target(%dma_start3A_40 : memref<256000xf32, #tpu.memory_space<vmem_shared>>) offsets(%arg15 : memref<2000xi32, #tpu.memory_space<vmem>>) semaphore(%run_scoped3A_39 : memref<!tpu.dma_semaphore, #tpu.memory_space<semaphore_mem>>) {add = true}
        %dma_wait3A = arith.constant 0 : i32
        %dma_wait3A_41 = tpu.memref_slice %arg16[%dma_wait3A] : memref<256000xf32, #tpu.memory_space<vmem_shared>> -> memref<256000xf32, #tpu.memory_space<vmem_shared>>
        tpu.wait_indirect_dma semaphore(%run_scoped3A_39 : memref<!tpu.dma_semaphore, #tpu.memory_space<semaphore_mem>>) src(%arg14 : memref<2000xf32, #tpu.memory_space<vmem>>) dst(%dma_wait3A_41 : memref<256000xf32, #tpu.memory_space<vmem_shared>>)
        tpu.yield
      }) : () -> ()
    }
    %scan3A_9 = arith.constant 50 : i32
    %barrier3A_10 = arith.constant 0 : index
    tpu.barrier barrier_id(%barrier3A_10)
    %mul3A_11 = arith.constant 16000 : i32
    %mul3A_12 = arith.muli %arg1, %mul3A_11 : i32
    %mul3A_13 = arith.constant 16000 : i32
    %mul3A_14 = arith.muli %arg1, %mul3A_13 : i32
    %run_scoped3A = arith.constant 0 : i32
    "tpu.region"() ({
      %run_scoped3A_30 = tpu.sem_alloc : memref<!tpu.dma_semaphore, #tpu.memory_space<semaphore_mem>>
      %dma_start3A = tpu.memref_slice %arg8[%arg0, %run_scoped3A, %mul3A_14] : memref<2x2x256000xf32, #tpu.memory_space<hbm>> -> memref<1x1x16000xf32, #tpu.memory_space<hbm>>
      %dma_start3A_31 = tpu.memref_squeeze %dma_start3A : memref<1x1x16000xf32, #tpu.memory_space<hbm>> -> memref<16000xf32, #tpu.memory_space<hbm>>
      %dma_start3A_32 = tpu.memref_slice %arg16[%mul3A_12] : memref<256000xf32, #tpu.memory_space<vmem_shared>> -> memref<16000xf32, #tpu.memory_space<vmem_shared>>
      tpu.enqueue_dma source(%dma_start3A_32 : memref<16000xf32, #tpu.memory_space<vmem_shared>>) target(%dma_start3A_31 : memref<16000xf32, #tpu.memory_space<hbm>>) target_semaphore(%run_scoped3A_30 : memref<!tpu.dma_semaphore, #tpu.memory_space<semaphore_mem>>)
      %dma_wait3A = tpu.memref_slice %arg8[%arg0, %run_scoped3A, %mul3A_14] : memref<2x2x256000xf32, #tpu.memory_space<hbm>> -> memref<1x1x16000xf32, #tpu.memory_space<hbm>>
      %dma_wait3A_33 = tpu.memref_squeeze %dma_wait3A : memref<1x1x16000xf32, #tpu.memory_space<hbm>> -> memref<16000xf32, #tpu.memory_space<hbm>>
      %dma_wait3A_34 = tpu.memref_slice %arg16[%mul3A_12] : memref<256000xf32, #tpu.memory_space<vmem_shared>> -> memref<16000xf32, #tpu.memory_space<vmem_shared>>
      tpu.wait_dma2 semaphore(%run_scoped3A_30 : memref<!tpu.dma_semaphore, #tpu.memory_space<semaphore_mem>>) src(%dma_wait3A_34 : memref<16000xf32, #tpu.memory_space<vmem_shared>>) dst(%dma_wait3A_33 : memref<16000xf32, #tpu.memory_space<hbm>>)
      tpu.yield
    }) : () -> ()
    %mul3A_15 = arith.constant 16000 : i32
    %mul3A_16 = arith.muli %arg1, %mul3A_15 : i32
    "tpu.region"() ({
      %run_scoped3A_30 = tpu.sem_alloc : memref<!tpu.dma_semaphore, #tpu.memory_space<semaphore_mem>>
      %dma_start3A = tpu.memref_slice %arg16[%mul3A_16] : memref<256000xf32, #tpu.memory_space<vmem_shared>> -> memref<16000xf32, #tpu.memory_space<vmem_shared>>
      tpu.enqueue_dma source(%arg7 : memref<16000xf32, #tpu.memory_space<hbm>>) target(%dma_start3A : memref<16000xf32, #tpu.memory_space<vmem_shared>>) target_semaphore(%run_scoped3A_30 : memref<!tpu.dma_semaphore, #tpu.memory_space<semaphore_mem>>)
      %dma_wait3A = tpu.memref_slice %arg16[%mul3A_16] : memref<256000xf32, #tpu.memory_space<vmem_shared>> -> memref<16000xf32, #tpu.memory_space<vmem_shared>>
      tpu.wait_dma2 semaphore(%run_scoped3A_30 : memref<!tpu.dma_semaphore, #tpu.memory_space<semaphore_mem>>) src(%arg7 : memref<16000xf32, #tpu.memory_space<hbm>>) dst(%dma_wait3A : memref<16000xf32, #tpu.memory_space<vmem_shared>>)
      tpu.yield
    }) : () -> ()
    %barrier3A_17 = arith.constant 0 : index
    tpu.barrier barrier_id(%barrier3A_17)
    %scan3A_18 = arith.constant 0 : i32
    %scan3A_19 = arith.constant 0 : i32
    %scan3A_20 = arith.constant 50 : i32
    %scan3A_21 = arith.addi %scan3A_19, %scan3A_20 : i32
    %scan3A_22 = arith.constant 1 : i32
    scf.for %scan3A_30 = %scan3A_19 to %scan3A_21 step %scan3A_22  : i32 {
      %mul3A_31 = arith.constant 2000 : i32
      %mul3A_32 = arith.muli %scan3A_30, %mul3A_31 : i32
      %add3A = arith.addi %mul3A_0, %mul3A_32 : i32
      "tpu.region"() ({
        %run_scoped3A_39 = tpu.sem_alloc : memref<!tpu.dma_semaphore, #tpu.memory_space<semaphore_mem>>
        %dma_start3A = tpu.memref_slice %arg2[%add3A] : memref<1600000xi32, #tpu.memory_space<hbm>> -> memref<2000xi32, #tpu.memory_space<hbm>>
        %dma_start3A_40 = tpu.memref_slice %arg2[%add3A] : memref<1600000xi32, #tpu.memory_space<hbm>> -> memref<2000xi32, #tpu.memory_space<hbm>>
        tpu.enqueue_dma source(%dma_start3A_40 : memref<2000xi32, #tpu.memory_space<hbm>>) target(%arg11 : memref<2000xi32, #tpu.memory_space<vmem>>) target_semaphore(%run_scoped3A_39 : memref<!tpu.dma_semaphore, #tpu.memory_space<semaphore_mem>>)
        %dma_wait3A = tpu.memref_slice %arg2[%add3A] : memref<1600000xi32, #tpu.memory_space<hbm>> -> memref<2000xi32, #tpu.memory_space<hbm>>
        %dma_wait3A_41 = tpu.memref_slice %arg2[%add3A] : memref<1600000xi32, #tpu.memory_space<hbm>> -> memref<2000xi32, #tpu.memory_space<hbm>>
        tpu.wait_dma2 semaphore(%run_scoped3A_39 : memref<!tpu.dma_semaphore, #tpu.memory_space<semaphore_mem>>) src(%dma_wait3A_41 : memref<2000xi32, #tpu.memory_space<hbm>>) dst(%arg11 : memref<2000xi32, #tpu.memory_space<vmem>>)
        tpu.yield
      }) : () -> ()
      "tpu.region"() ({
        %run_scoped3A_39 = tpu.sem_alloc : memref<!tpu.dma_semaphore, #tpu.memory_space<semaphore_mem>>
        %dma_start3A = tpu.memref_slice %arg3[%add3A] : memref<1600000xi32, #tpu.memory_space<hbm>> -> memref<2000xi32, #tpu.memory_space<hbm>>
        %dma_start3A_40 = tpu.memref_slice %arg3[%add3A] : memref<1600000xi32, #tpu.memory_space<hbm>> -> memref<2000xi32, #tpu.memory_space<hbm>>
        tpu.enqueue_dma source(%dma_start3A_40 : memref<2000xi32, #tpu.memory_space<hbm>>) target(%arg12 : memref<2000xi32, #tpu.memory_space<vmem>>) target_semaphore(%run_scoped3A_39 : memref<!tpu.dma_semaphore, #tpu.memory_space<semaphore_mem>>)
        %dma_wait3A = tpu.memref_slice %arg3[%add3A] : memref<1600000xi32, #tpu.memory_space<hbm>> -> memref<2000xi32, #tpu.memory_space<hbm>>
        %dma_wait3A_41 = tpu.memref_slice %arg3[%add3A] : memref<1600000xi32, #tpu.memory_space<hbm>> -> memref<2000xi32, #tpu.memory_space<hbm>>
        tpu.wait_dma2 semaphore(%run_scoped3A_39 : memref<!tpu.dma_semaphore, #tpu.memory_space<semaphore_mem>>) src(%dma_wait3A_41 : memref<2000xi32, #tpu.memory_space<hbm>>) dst(%arg12 : memref<2000xi32, #tpu.memory_space<vmem>>)
        tpu.yield
      }) : () -> ()
      "tpu.region"() ({
        %run_scoped3A_39 = tpu.sem_alloc : memref<!tpu.dma_semaphore, #tpu.memory_space<semaphore_mem>>
        %dma_start3A = tpu.memref_slice %arg4[%add3A] : memref<1600000xf32, #tpu.memory_space<hbm>> -> memref<2000xf32, #tpu.memory_space<hbm>>
        %dma_start3A_40 = tpu.memref_slice %arg4[%add3A] : memref<1600000xf32, #tpu.memory_space<hbm>> -> memref<2000xf32, #tpu.memory_space<hbm>>
        tpu.enqueue_dma source(%dma_start3A_40 : memref<2000xf32, #tpu.memory_space<hbm>>) target(%arg13 : memref<2000xf32, #tpu.memory_space<vmem>>) target_semaphore(%run_scoped3A_39 : memref<!tpu.dma_semaphore, #tpu.memory_space<semaphore_mem>>)
        %dma_wait3A = tpu.memref_slice %arg4[%add3A] : memref<1600000xf32, #tpu.memory_space<hbm>> -> memref<2000xf32, #tpu.memory_space<hbm>>
        %dma_wait3A_41 = tpu.memref_slice %arg4[%add3A] : memref<1600000xf32, #tpu.memory_space<hbm>> -> memref<2000xf32, #tpu.memory_space<hbm>>
        tpu.wait_dma2 semaphore(%run_scoped3A_39 : memref<!tpu.dma_semaphore, #tpu.memory_space<semaphore_mem>>) src(%dma_wait3A_41 : memref<2000xf32, #tpu.memory_space<hbm>>) dst(%arg13 : memref<2000xf32, #tpu.memory_space<vmem>>)
        tpu.yield
      }) : () -> ()
      %scan3A_33 = arith.constant 0 : i32
      %scan3A_34 = arith.constant 0 : i32
      %scan3A_35 = arith.constant 125 : i32
      %scan3A_36 = arith.addi %scan3A_34, %scan3A_35 : i32
      %scan3A_37 = arith.constant 1 : i32
      scf.for %scan3A_39 = %scan3A_34 to %scan3A_36 step %scan3A_37  : i32 {
        %mul3A_40 = arith.constant 16 : i32
        %mul3A_41 = arith.muli %scan3A_39, %mul3A_40 : i32
        %get3A = arith.index_cast %mul3A_41 : i32 to index
        %get3A_42 = tpu.vector_load %arg11[%get3A] {strides = array<i32>} : memref<2000xi32, #tpu.memory_space<vmem>>, vector<16xi32>,
        %get3A_43 = arith.index_cast %mul3A_41 : i32 to index
        %get3A_44 = tpu.vector_load %arg12[%get3A_43] {strides = array<i32>} : memref<2000xi32, #tpu.memory_space<vmem>>, vector<16xi32>,
        %get3A_45 = arith.index_cast %mul3A_41 : i32 to index
        %get3A_46 = tpu.vector_load %arg13[%get3A_45] {strides = array<i32>} : memref<2000xf32, #tpu.memory_space<vmem>>, vector<16xf32>,
        %gather3A = tpu.vector_load_idx %arg9[%get3A_42] : memref<51200xf32, #tpu.memory_space<vmem>>[vector<16xi32>], vector<16xf32>,
        %gather3A_47 = tpu.vector_load_idx %arg9[%get3A_44] : memref<51200xf32, #tpu.memory_space<vmem>>[vector<16xi32>], vector<16xf32>,
        %gather3A_48 = tpu.vector_load_idx %arg10[%get3A_42] : memref<51200xi32, #tpu.memory_space<vmem>>[vector<16xi32>], vector<16xi32>,
        %sub3A = vector.broadcast %mul3A_2 : i32 to vector<16xi32>
        %sub3A_49 = arith.subi %gather3A_48, %sub3A : vector<16xi32>
        %ge3A = arith.constant 25600 : i32
        %ge3A_50 = vector.broadcast %ge3A : i32 to vector<16xi32>
        %ge3A_51 = arith.cmpi sge, %get3A_44, %ge3A_50 : vector<16xi32>
        %lt3A = arith.constant 51200 : i32
        %lt3A_52 = vector.broadcast %lt3A : i32 to vector<16xi32>
        %lt3A_53 = arith.cmpi slt, %get3A_44, %lt3A_52 : vector<16xi32>
        %and3A = arith.andi %ge3A_51, %lt3A_53 : vector<16xi1>
        %ge3A_54 = arith.constant 0 : i32
        %ge3A_55 = vector.broadcast %ge3A_54 : i32 to vector<16xi32>
        %ge3A_56 = arith.cmpi sge, %sub3A_49, %ge3A_55 : vector<16xi32>
        %lt3A_57 = arith.constant 9 : i32
        %lt3A_58 = vector.broadcast %lt3A_57 : i32 to vector<16xi32>
        %lt3A_59 = arith.cmpi slt, %sub3A_49, %lt3A_58 : vector<16xi32>
        %and3A_60 = arith.andi %ge3A_56, %lt3A_59 : vector<16xi1>
        %and3A_61 = arith.andi %and3A_60, %and3A : vector<16xi1>
        %jit3A = arith.constant 9 : i32
        %broadcast_in_dim3A = vector.broadcast %jit3A : i32 to vector<16xi32>
        %select_n3A = arith.select %and3A_61, %sub3A_49, %broadcast_in_dim3A : vector<16xi1>, vector<16xi32>
        %ge3A_62 = arith.constant 25600 : i32
        %ge3A_63 = vector.broadcast %ge3A_62 : i32 to vector<16xi32>
        %ge3A_64 = arith.cmpi sge, %get3A_44, %ge3A_63 : vector<16xi32>
        %sub3A_65 = arith.constant 25600 : i32
        %sub3A_66 = vector.broadcast %sub3A_65 : i32 to vector<16xi32>
        %sub3A_67 = arith.subi %get3A_44, %sub3A_66 : vector<16xi32>
        %select_n3A_68 = arith.select %ge3A_64, %sub3A_67, %get3A_44 : vector<16xi1>, vector<16xi32>
        %mul3A_69 = arith.mulf %gather3A, %get3A_46 : vector<16xf32>
        %mul3A_70 = arith.mulf %mul3A_69, %gather3A_47 : vector<16xf32>
        %swap3A = arith.index_cast %mul3A_41 : i32 to index
        %swap3A_71 = tpu.vector_load %arg14[%swap3A] {strides = array<i32>} : memref<2000xf32, #tpu.memory_space<vmem>>, vector<16xf32>,
        tpu.vector_store %arg14[%swap3A], %mul3A_70 {strides = array<i32>} : memref<2000xf32, #tpu.memory_space<vmem>>, vector<16xf32>,
        %mul3A_72 = arith.constant 25600 : i32
        %mul3A_73 = vector.broadcast %mul3A_72 : i32 to vector<16xi32>
        %mul3A_74 = arith.muli %select_n3A, %mul3A_73 : vector<16xi32>
        %add3A_75 = arith.addi %mul3A_74, %select_n3A_68 : vector<16xi32>
        %swap3A_76 = arith.index_cast %mul3A_41 : i32 to index
        %swap3A_77 = tpu.vector_load %arg15[%swap3A_76] {strides = array<i32>} : memref<2000xi32, #tpu.memory_space<vmem>>, vector<16xi32>,
        tpu.vector_store %arg15[%swap3A_76], %add3A_75 {strides = array<i32>} : memref<2000xi32, #tpu.memory_space<vmem>>, vector<16xi32>,
      }
      %scan3A_38 = arith.constant 125 : i32
      "tpu.region"() ({
        %run_scoped3A_39 = tpu.sem_alloc : memref<!tpu.dma_semaphore, #tpu.memory_space<semaphore_mem>>
        %dma_start3A = arith.constant 0 : i32
        %dma_start3A_40 = tpu.memref_slice %arg16[%dma_start3A] : memref<256000xf32, #tpu.memory_space<vmem_shared>> -> memref<256000xf32, #tpu.memory_space<vmem_shared>>
        tpu.enqueue_indirect_dma source(%arg14 : memref<2000xf32, #tpu.memory_space<vmem>>) target(%dma_start3A_40 : memref<256000xf32, #tpu.memory_space<vmem_shared>>) offsets(%arg15 : memref<2000xi32, #tpu.memory_space<vmem>>) semaphore(%run_scoped3A_39 : memref<!tpu.dma_semaphore, #tpu.memory_space<semaphore_mem>>) {add = true}
        %dma_wait3A = arith.constant 0 : i32
        %dma_wait3A_41 = tpu.memref_slice %arg16[%dma_wait3A] : memref<256000xf32, #tpu.memory_space<vmem_shared>> -> memref<256000xf32, #tpu.memory_space<vmem_shared>>
        tpu.wait_indirect_dma semaphore(%run_scoped3A_39 : memref<!tpu.dma_semaphore, #tpu.memory_space<semaphore_mem>>) src(%arg14 : memref<2000xf32, #tpu.memory_space<vmem>>) dst(%dma_wait3A_41 : memref<256000xf32, #tpu.memory_space<vmem_shared>>)
        tpu.yield
      }) : () -> ()
    }
    %scan3A_23 = arith.constant 50 : i32
    %barrier3A_24 = arith.constant 0 : index
    tpu.barrier barrier_id(%barrier3A_24)
    %mul3A_25 = arith.constant 16000 : i32
    %mul3A_26 = arith.muli %arg1, %mul3A_25 : i32
    %mul3A_27 = arith.constant 16000 : i32
    %mul3A_28 = arith.muli %arg1, %mul3A_27 : i32
    %run_scoped3A_29 = arith.constant 1 : i32
    "tpu.region"() ({
      %run_scoped3A_30 = tpu.sem_alloc : memref<!tpu.dma_semaphore, #tpu.memory_space<semaphore_mem>>
      %dma_start3A = tpu.memref_slice %arg8[%arg0, %run_scoped3A_29, %mul3A_28] : memref<2x2x256000xf32, #tpu.memory_space<hbm>> -> memref<1x1x16000xf32, #tpu.memory_space<hbm>>
      %dma_start3A_31 = tpu.memref_squeeze %dma_start3A : memref<1x1x16000xf32, #tpu.memory_space<hbm>> -> memref<16000xf32, #tpu.memory_space<hbm>>
      %dma_start3A_32 = tpu.memref_slice %arg16[%mul3A_26] : memref<256000xf32, #tpu.memory_space<vmem_shared>> -> memref<16000xf32, #tpu.memory_space<vmem_shared>>
      tpu.enqueue_dma source(%dma_start3A_32 : memref<16000xf32, #tpu.memory_space<vmem_shared>>) target(%dma_start3A_31 : memref<16000xf32, #tpu.memory_space<hbm>>) target_semaphore(%run_scoped3A_30 : memref<!tpu.dma_semaphore, #tpu.memory_space<semaphore_mem>>)
      %dma_wait3A = tpu.memref_slice %arg8[%arg0, %run_scoped3A_29, %mul3A_28] : memref<2x2x256000xf32, #tpu.memory_space<hbm>> -> memref<1x1x16000xf32, #tpu.memory_space<hbm>>
      %dma_wait3A_33 = tpu.memref_squeeze %dma_wait3A : memref<1x1x16000xf32, #tpu.memory_space<hbm>> -> memref<16000xf32, #tpu.memory_space<hbm>>
      %dma_wait3A_34 = tpu.memref_slice %arg16[%mul3A_26] : memref<256000xf32, #tpu.memory_space<vmem_shared>> -> memref<16000xf32, #tpu.memory_space<vmem_shared>>
      tpu.wait_dma2 semaphore(%run_scoped3A_30 : memref<!tpu.dma_semaphore, #tpu.memory_space<semaphore_mem>>) src(%dma_wait3A_34 : memref<16000xf32, #tpu.memory_space<vmem_shared>>) dst(%dma_wait3A_33 : memref<16000xf32, #tpu.memory_space<hbm>>)
      tpu.yield
    }) : () -> ()
    return
  }
}

#map = affine_map<(d0, d1) -> (0)>
#map1 = affine_map<(d0, d1) -> (0, 0)>
module attributes {stable_mosaic.version = 14 : i64} {
  func.func @deg_kernel(%arg0: i32, %arg1: i32, %arg2: memref<1600000xi32, #tpu.memory_space<hbm>>, %arg3: memref<1600000xf32, #tpu.memory_space<hbm>>, %arg4: memref<3200xf32, #tpu.memory_space<hbm>>, %arg5: memref<2x51200xf32, #tpu.memory_space<hbm>>, %arg6: memref<50000xi32, #tpu.memory_space<vmem>>, %arg7: memref<50000xf32, #tpu.memory_space<vmem>>, %arg8: memref<51200xf32, #tpu.memory_space<vmem_shared>>) attributes {dimension_semantics = [#tpu.dimension_semantics<core_parallel>, #tpu.dimension_semantics<subcore_parallel>], iteration_bounds = array<i64: 2, 16>, scalar_prefetch = 0 : i64, scratch_operands = 3 : i64, tpu.core_type = #tpu.core_type<sc_vector_subcore>, window_params = [{transform_indices = #map}, {transform_indices = #map}, {transform_indices = #map}, {transform_indices = #map1}]} {
    %mul3A = arith.constant 16 : i32
    %mul3A_0 = arith.muli %arg0, %mul3A : i32
    %add3A = arith.addi %mul3A_0, %arg1 : i32
    %mul3A_1 = arith.constant 50000 : i32
    %mul3A_2 = arith.muli %add3A, %mul3A_1 : i32
    %mul3A_3 = arith.constant 3200 : i32
    %mul3A_4 = arith.muli %arg1, %mul3A_3 : i32
    "tpu.region"() ({
      %run_scoped3A = tpu.sem_alloc : memref<!tpu.dma_semaphore, #tpu.memory_space<semaphore_mem>>
      %dma_start3A = tpu.memref_slice %arg8[%mul3A_4] : memref<51200xf32, #tpu.memory_space<vmem_shared>> -> memref<3200xf32, #tpu.memory_space<vmem_shared>>
      tpu.enqueue_dma source(%arg4 : memref<3200xf32, #tpu.memory_space<hbm>>) target(%dma_start3A : memref<3200xf32, #tpu.memory_space<vmem_shared>>) target_semaphore(%run_scoped3A : memref<!tpu.dma_semaphore, #tpu.memory_space<semaphore_mem>>)
      %dma_wait3A = tpu.memref_slice %arg8[%mul3A_4] : memref<51200xf32, #tpu.memory_space<vmem_shared>> -> memref<3200xf32, #tpu.memory_space<vmem_shared>>
      tpu.wait_dma2 semaphore(%run_scoped3A : memref<!tpu.dma_semaphore, #tpu.memory_space<semaphore_mem>>) src(%arg4 : memref<3200xf32, #tpu.memory_space<hbm>>) dst(%dma_wait3A : memref<3200xf32, #tpu.memory_space<vmem_shared>>)
      tpu.yield
    }) : () -> ()
    %barrier3A = arith.constant 0 : index
    tpu.barrier barrier_id(%barrier3A)
    "tpu.region"() ({
      %run_scoped3A = tpu.sem_alloc : memref<!tpu.dma_semaphore, #tpu.memory_space<semaphore_mem>>
      %dma_start3A = tpu.memref_slice %arg2[%mul3A_2] : memref<1600000xi32, #tpu.memory_space<hbm>> -> memref<50000xi32, #tpu.memory_space<hbm>>
      %dma_start3A_10 = tpu.memref_slice %arg2[%mul3A_2] : memref<1600000xi32, #tpu.memory_space<hbm>> -> memref<50000xi32, #tpu.memory_space<hbm>>
      tpu.enqueue_dma source(%dma_start3A_10 : memref<50000xi32, #tpu.memory_space<hbm>>) target(%arg6 : memref<50000xi32, #tpu.memory_space<vmem>>) target_semaphore(%run_scoped3A : memref<!tpu.dma_semaphore, #tpu.memory_space<semaphore_mem>>)
      %dma_wait3A = tpu.memref_slice %arg2[%mul3A_2] : memref<1600000xi32, #tpu.memory_space<hbm>> -> memref<50000xi32, #tpu.memory_space<hbm>>
      %dma_wait3A_11 = tpu.memref_slice %arg2[%mul3A_2] : memref<1600000xi32, #tpu.memory_space<hbm>> -> memref<50000xi32, #tpu.memory_space<hbm>>
      tpu.wait_dma2 semaphore(%run_scoped3A : memref<!tpu.dma_semaphore, #tpu.memory_space<semaphore_mem>>) src(%dma_wait3A_11 : memref<50000xi32, #tpu.memory_space<hbm>>) dst(%arg6 : memref<50000xi32, #tpu.memory_space<vmem>>)
      tpu.yield
    }) : () -> ()
    "tpu.region"() ({
      %run_scoped3A = tpu.sem_alloc : memref<!tpu.dma_semaphore, #tpu.memory_space<semaphore_mem>>
      %dma_start3A = tpu.memref_slice %arg3[%mul3A_2] : memref<1600000xf32, #tpu.memory_space<hbm>> -> memref<50000xf32, #tpu.memory_space<hbm>>
      %dma_start3A_10 = tpu.memref_slice %arg3[%mul3A_2] : memref<1600000xf32, #tpu.memory_space<hbm>> -> memref<50000xf32, #tpu.memory_space<hbm>>
      tpu.enqueue_dma source(%dma_start3A_10 : memref<50000xf32, #tpu.memory_space<hbm>>) target(%arg7 : memref<50000xf32, #tpu.memory_space<vmem>>) target_semaphore(%run_scoped3A : memref<!tpu.dma_semaphore, #tpu.memory_space<semaphore_mem>>)
      %dma_wait3A = tpu.memref_slice %arg3[%mul3A_2] : memref<1600000xf32, #tpu.memory_space<hbm>> -> memref<50000xf32, #tpu.memory_space<hbm>>
      %dma_wait3A_11 = tpu.memref_slice %arg3[%mul3A_2] : memref<1600000xf32, #tpu.memory_space<hbm>> -> memref<50000xf32, #tpu.memory_space<hbm>>
      tpu.wait_dma2 semaphore(%run_scoped3A : memref<!tpu.dma_semaphore, #tpu.memory_space<semaphore_mem>>) src(%dma_wait3A_11 : memref<50000xf32, #tpu.memory_space<hbm>>) dst(%arg7 : memref<50000xf32, #tpu.memory_space<vmem>>)
      tpu.yield
    }) : () -> ()
    "tpu.region"() ({
      %run_scoped3A = tpu.sem_alloc : memref<!tpu.dma_semaphore, #tpu.memory_space<semaphore_mem>>
      %dma_start3A = arith.constant 0 : i32
      %dma_start3A_10 = tpu.memref_slice %arg8[%dma_start3A] : memref<51200xf32, #tpu.memory_space<vmem_shared>> -> memref<51200xf32, #tpu.memory_space<vmem_shared>>
      tpu.enqueue_indirect_dma source(%arg7 : memref<50000xf32, #tpu.memory_space<vmem>>) target(%dma_start3A_10 : memref<51200xf32, #tpu.memory_space<vmem_shared>>) offsets(%arg6 : memref<50000xi32, #tpu.memory_space<vmem>>) semaphore(%run_scoped3A : memref<!tpu.dma_semaphore, #tpu.memory_space<semaphore_mem>>) {add = true}
      %dma_wait3A = arith.constant 0 : i32
      %dma_wait3A_11 = tpu.memref_slice %arg8[%dma_wait3A] : memref<51200xf32, #tpu.memory_space<vmem_shared>> -> memref<51200xf32, #tpu.memory_space<vmem_shared>>
      tpu.wait_indirect_dma semaphore(%run_scoped3A : memref<!tpu.dma_semaphore, #tpu.memory_space<semaphore_mem>>) src(%arg7 : memref<50000xf32, #tpu.memory_space<vmem>>) dst(%dma_wait3A_11 : memref<51200xf32, #tpu.memory_space<vmem_shared>>)
      tpu.yield
    }) : () -> ()
    %barrier3A_5 = arith.constant 0 : index
    tpu.barrier barrier_id(%barrier3A_5)
    %mul3A_6 = arith.constant 3200 : i32
    %mul3A_7 = arith.muli %arg1, %mul3A_6 : i32
    %mul3A_8 = arith.constant 3200 : i32
    %mul3A_9 = arith.muli %arg1, %mul3A_8 : i32
    "tpu.region"() ({
      %run_scoped3A = tpu.sem_alloc : memref<!tpu.dma_semaphore, #tpu.memory_space<semaphore_mem>>
      %dma_start3A = tpu.memref_slice %arg5[%arg0, %mul3A_9] : memref<2x51200xf32, #tpu.memory_space<hbm>> -> memref<1x3200xf32, #tpu.memory_space<hbm>>
      %dma_start3A_10 = tpu.memref_squeeze %dma_start3A : memref<1x3200xf32, #tpu.memory_space<hbm>> -> memref<3200xf32, #tpu.memory_space<hbm>>
      %dma_start3A_11 = tpu.memref_slice %arg8[%mul3A_7] : memref<51200xf32, #tpu.memory_space<vmem_shared>> -> memref<3200xf32, #tpu.memory_space<vmem_shared>>
      tpu.enqueue_dma source(%dma_start3A_11 : memref<3200xf32, #tpu.memory_space<vmem_shared>>) target(%dma_start3A_10 : memref<3200xf32, #tpu.memory_space<hbm>>) target_semaphore(%run_scoped3A : memref<!tpu.dma_semaphore, #tpu.memory_space<semaphore_mem>>)
      %dma_wait3A = tpu.memref_slice %arg5[%arg0, %mul3A_9] : memref<2x51200xf32, #tpu.memory_space<hbm>> -> memref<1x3200xf32, #tpu.memory_space<hbm>>
      %dma_wait3A_12 = tpu.memref_squeeze %dma_wait3A : memref<1x3200xf32, #tpu.memory_space<hbm>> -> memref<3200xf32, #tpu.memory_space<hbm>>
      %dma_wait3A_13 = tpu.memref_slice %arg8[%mul3A_7] : memref<51200xf32, #tpu.memory_space<vmem_shared>> -> memref<3200xf32, #tpu.memory_space<vmem_shared>>
      tpu.wait_dma2 semaphore(%run_scoped3A : memref<!tpu.dma_semaphore, #tpu.memory_space<semaphore_mem>>) src(%dma_wait3A_13 : memref<3200xf32, #tpu.memory_space<vmem_shared>>) dst(%dma_wait3A_12 : memref<3200xf32, #tpu.memory_space<hbm>>)
      tpu.yield
    }) : () -> ()
    return
  }
}

module attributes {stable_mosaic.version = 14 : i64} {
  func.func @body(%arg0: memref<400x128xf32, #tpu.memory_space<vmem>>, %arg1: memref<400x128xf32, #tpu.memory_space<vmem>>, %arg2: memref<16x400x128xf32, #tpu.memory_space<vmem>>, %arg3: memref<400x128xf32, #tpu.memory_space<vmem>>, %arg4: memref<400x128xf32, #tpu.memory_space<vmem>>, %arg5: memref<400x128xi32, #tpu.memory_space<vmem>>) attributes {dimension_semantics = [], scalar_prefetch = 0 : i64, scratch_operands = 0 : i64, tpu.core_type = #tpu.core_type<tc>} {
    %get3A = arith.constant 0 : index
    %get3A_0 = arith.constant 0 : index
    %get3A_1 = vector.load %arg0[%get3A, %get3A_0] : memref<400x128xf32, #tpu.memory_space<vmem>>, vector<400x128xf32>
    %get3A_2 = arith.constant 0 : index
    %get3A_3 = arith.constant 0 : index
    %get3A_4 = vector.load %arg1[%get3A_2, %get3A_3] : memref<400x128xf32, #tpu.memory_space<vmem>>, vector<400x128xf32>
    %add3A = arith.addf %get3A_1, %get3A_4 : vector<400x128xf32>
    %gt3A = arith.constant 0.000000e+00 : f32
    %gt3A_5 = vector.broadcast %gt3A : f32 to vector<400x128xf32>
    %gt3A_6 = arith.cmpf ogt, %add3A, %gt3A_5 : vector<400x128xf32>
    %max3A = arith.constant 9.99999996E-13 : f32
    %max3A_7 = vector.broadcast %max3A : f32 to vector<400x128xf32>
    %max3A_8 = arith.maximumf %add3A, %max3A_7 : vector<400x128xf32>
    %rsqrt3A = math.rsqrt %max3A_8 : vector<400x128xf32>
    %jit3A = arith.constant 0.000000e+00 : f32
    %broadcast_in_dim3A = vector.broadcast %jit3A : f32 to vector<400x128xf32>
    %select_n3A = arith.select %gt3A_6, %rsqrt3A, %broadcast_in_dim3A : vector<400x128xi1>, vector<400x128xf32>
    %swap3A = arith.constant 0 : index
    %swap3A_9 = arith.constant 0 : index
    %swap3A_10 = vector.load %arg4[%swap3A, %swap3A_9] : memref<400x128xf32, #tpu.memory_space<vmem>>, vector<400x128xf32>
    tpu.vector_store %arg4[%swap3A, %swap3A_9], %select_n3A {strides = array<i32>} : memref<400x128xf32, #tpu.memory_space<vmem>>, vector<400x128xf32>,
    %broadcast_in_dim3A_11 = arith.constant 0.000000e+00 : f32
    %broadcast_in_dim3A_12 = vector.broadcast %broadcast_in_dim3A_11 : f32 to vector<400x128xf32>
    %get3A_13 = arith.constant 1 : index
    %get3A_14 = arith.constant 0 : index
    %get3A_15 = arith.constant 0 : index
    %get3A_16 = vector.load %arg2[%get3A_13, %get3A_14, %get3A_15] : memref<16x400x128xf32, #tpu.memory_space<vmem>>, vector<1x400x128xf32>
    %get3A_17 = vector.shape_cast %get3A_16 : vector<1x400x128xf32> to vector<400x128xf32>
    %mul3A = arith.constant 1.000000e+00 : f32
    %mul3A_18 = vector.broadcast %mul3A : f32 to vector<400x128xf32>
    %mul3A_19 = arith.mulf %mul3A_18, %get3A_17 : vector<400x128xf32>
    %add3A_20 = arith.addf %broadcast_in_dim3A_12, %mul3A_19 : vector<400x128xf32>
    %get3A_21 = arith.constant 2 : index
    %get3A_22 = arith.constant 0 : index
    %get3A_23 = arith.constant 0 : index
    %get3A_24 = vector.load %arg2[%get3A_21, %get3A_22, %get3A_23] : memref<16x400x128xf32, #tpu.memory_space<vmem>>, vector<1x400x128xf32>
    %get3A_25 = vector.shape_cast %get3A_24 : vector<1x400x128xf32> to vector<400x128xf32>
    %mul3A_26 = arith.constant 2.000000e+00 : f32
    %mul3A_27 = vector.broadcast %mul3A_26 : f32 to vector<400x128xf32>
    %mul3A_28 = arith.mulf %mul3A_27, %get3A_25 : vector<400x128xf32>
    %add3A_29 = arith.addf %add3A_20, %mul3A_28 : vector<400x128xf32>
    %get3A_30 = arith.constant 3 : index
    %get3A_31 = arith.constant 0 : index
    %get3A_32 = arith.constant 0 : index
    %get3A_33 = vector.load %arg2[%get3A_30, %get3A_31, %get3A_32] : memref<16x400x128xf32, #tpu.memory_space<vmem>>, vector<1x400x128xf32>
    %get3A_34 = vector.shape_cast %get3A_33 : vector<1x400x128xf32> to vector<400x128xf32>
    %mul3A_35 = arith.constant 3.000000e+00 : f32
    %mul3A_36 = vector.broadcast %mul3A_35 : f32 to vector<400x128xf32>
    %mul3A_37 = arith.mulf %mul3A_36, %get3A_34 : vector<400x128xf32>
    %add3A_38 = arith.addf %add3A_29, %mul3A_37 : vector<400x128xf32>
    %get3A_39 = arith.constant 4 : index
    %get3A_40 = arith.constant 0 : index
    %get3A_41 = arith.constant 0 : index
    %get3A_42 = vector.load %arg2[%get3A_39, %get3A_40, %get3A_41] : memref<16x400x128xf32, #tpu.memory_space<vmem>>, vector<1x400x128xf32>
    %get3A_43 = vector.shape_cast %get3A_42 : vector<1x400x128xf32> to vector<400x128xf32>
    %mul3A_44 = arith.constant 4.000000e+00 : f32
    %mul3A_45 = vector.broadcast %mul3A_44 : f32 to vector<400x128xf32>
    %mul3A_46 = arith.mulf %mul3A_45, %get3A_43 : vector<400x128xf32>
    %add3A_47 = arith.addf %add3A_38, %mul3A_46 : vector<400x128xf32>
    %get3A_48 = arith.constant 5 : index
    %get3A_49 = arith.constant 0 : index
    %get3A_50 = arith.constant 0 : index
    %get3A_51 = vector.load %arg2[%get3A_48, %get3A_49, %get3A_50] : memref<16x400x128xf32, #tpu.memory_space<vmem>>, vector<1x400x128xf32>
    %get3A_52 = vector.shape_cast %get3A_51 : vector<1x400x128xf32> to vector<400x128xf32>
    %mul3A_53 = arith.constant 5.000000e+00 : f32
    %mul3A_54 = vector.broadcast %mul3A_53 : f32 to vector<400x128xf32>
    %mul3A_55 = arith.mulf %mul3A_54, %get3A_52 : vector<400x128xf32>
    %add3A_56 = arith.addf %add3A_47, %mul3A_55 : vector<400x128xf32>
    %get3A_57 = arith.constant 6 : index
    %get3A_58 = arith.constant 0 : index
    %get3A_59 = arith.constant 0 : index
    %get3A_60 = vector.load %arg2[%get3A_57, %get3A_58, %get3A_59] : memref<16x400x128xf32, #tpu.memory_space<vmem>>, vector<1x400x128xf32>
    %get3A_61 = vector.shape_cast %get3A_60 : vector<1x400x128xf32> to vector<400x128xf32>
    %mul3A_62 = arith.constant 6.000000e+00 : f32
    %mul3A_63 = vector.broadcast %mul3A_62 : f32 to vector<400x128xf32>
    %mul3A_64 = arith.mulf %mul3A_63, %get3A_61 : vector<400x128xf32>
    %add3A_65 = arith.addf %add3A_56, %mul3A_64 : vector<400x128xf32>
    %get3A_66 = arith.constant 7 : index
    %get3A_67 = arith.constant 0 : index
    %get3A_68 = arith.constant 0 : index
    %get3A_69 = vector.load %arg2[%get3A_66, %get3A_67, %get3A_68] : memref<16x400x128xf32, #tpu.memory_space<vmem>>, vector<1x400x128xf32>
    %get3A_70 = vector.shape_cast %get3A_69 : vector<1x400x128xf32> to vector<400x128xf32>
    %mul3A_71 = arith.constant 7.000000e+00 : f32
    %mul3A_72 = vector.broadcast %mul3A_71 : f32 to vector<400x128xf32>
    %mul3A_73 = arith.mulf %mul3A_72, %get3A_70 : vector<400x128xf32>
    %add3A_74 = arith.addf %add3A_65, %mul3A_73 : vector<400x128xf32>
    %get3A_75 = arith.constant 8 : index
    %get3A_76 = arith.constant 0 : index
    %get3A_77 = arith.constant 0 : index
    %get3A_78 = vector.load %arg2[%get3A_75, %get3A_76, %get3A_77] : memref<16x400x128xf32, #tpu.memory_space<vmem>>, vector<1x400x128xf32>
    %get3A_79 = vector.shape_cast %get3A_78 : vector<1x400x128xf32> to vector<400x128xf32>
    %mul3A_80 = arith.constant 8.000000e+00 : f32
    %mul3A_81 = vector.broadcast %mul3A_80 : f32 to vector<400x128xf32>
    %mul3A_82 = arith.mulf %mul3A_81, %get3A_79 : vector<400x128xf32>
    %add3A_83 = arith.addf %add3A_74, %mul3A_82 : vector<400x128xf32>
    %get3A_84 = arith.constant 9 : index
    %get3A_85 = arith.constant 0 : index
    %get3A_86 = arith.constant 0 : index
    %get3A_87 = vector.load %arg2[%get3A_84, %get3A_85, %get3A_86] : memref<16x400x128xf32, #tpu.memory_space<vmem>>, vector<1x400x128xf32>
    %get3A_88 = vector.shape_cast %get3A_87 : vector<1x400x128xf32> to vector<400x128xf32>
    %mul3A_89 = arith.constant 9.000000e+00 : f32
    %mul3A_90 = vector.broadcast %mul3A_89 : f32 to vector<400x128xf32>
    %mul3A_91 = arith.mulf %mul3A_90, %get3A_88 : vector<400x128xf32>
    %add3A_92 = arith.addf %add3A_83, %mul3A_91 : vector<400x128xf32>
    %get3A_93 = arith.constant 10 : index
    %get3A_94 = arith.constant 0 : index
    %get3A_95 = arith.constant 0 : index
    %get3A_96 = vector.load %arg2[%get3A_93, %get3A_94, %get3A_95] : memref<16x400x128xf32, #tpu.memory_space<vmem>>, vector<1x400x128xf32>
    %get3A_97 = vector.shape_cast %get3A_96 : vector<1x400x128xf32> to vector<400x128xf32>
    %mul3A_98 = arith.constant 1.000000e+01 : f32
    %mul3A_99 = vector.broadcast %mul3A_98 : f32 to vector<400x128xf32>
    %mul3A_100 = arith.mulf %mul3A_99, %get3A_97 : vector<400x128xf32>
    %add3A_101 = arith.addf %add3A_92, %mul3A_100 : vector<400x128xf32>
    %get3A_102 = arith.constant 11 : index
    %get3A_103 = arith.constant 0 : index
    %get3A_104 = arith.constant 0 : index
    %get3A_105 = vector.load %arg2[%get3A_102, %get3A_103, %get3A_104] : memref<16x400x128xf32, #tpu.memory_space<vmem>>, vector<1x400x128xf32>
    %get3A_106 = vector.shape_cast %get3A_105 : vector<1x400x128xf32> to vector<400x128xf32>
    %mul3A_107 = arith.constant 1.100000e+01 : f32
    %mul3A_108 = vector.broadcast %mul3A_107 : f32 to vector<400x128xf32>
    %mul3A_109 = arith.mulf %mul3A_108, %get3A_106 : vector<400x128xf32>
    %add3A_110 = arith.addf %add3A_101, %mul3A_109 : vector<400x128xf32>
    %get3A_111 = arith.constant 12 : index
    %get3A_112 = arith.constant 0 : index
    %get3A_113 = arith.constant 0 : index
    %get3A_114 = vector.load %arg2[%get3A_111, %get3A_112, %get3A_113] : memref<16x400x128xf32, #tpu.memory_space<vmem>>, vector<1x400x128xf32>
    %get3A_115 = vector.shape_cast %get3A_114 : vector<1x400x128xf32> to vector<400x128xf32>
    %mul3A_116 = arith.constant 1.200000e+01 : f32
    %mul3A_117 = vector.broadcast %mul3A_116 : f32 to vector<400x128xf32>
    %mul3A_118 = arith.mulf %mul3A_117, %get3A_115 : vector<400x128xf32>
    %add3A_119 = arith.addf %add3A_110, %mul3A_118 : vector<400x128xf32>
    %get3A_120 = arith.constant 13 : index
    %get3A_121 = arith.constant 0 : index
    %get3A_122 = arith.constant 0 : index
    %get3A_123 = vector.load %arg2[%get3A_120, %get3A_121, %get3A_122] : memref<16x400x128xf32, #tpu.memory_space<vmem>>, vector<1x400x128xf32>
    %get3A_124 = vector.shape_cast %get3A_123 : vector<1x400x128xf32> to vector<400x128xf32>
    %mul3A_125 = arith.constant 1.300000e+01 : f32
    %mul3A_126 = vector.broadcast %mul3A_125 : f32 to vector<400x128xf32>
    %mul3A_127 = arith.mulf %mul3A_126, %get3A_124 : vector<400x128xf32>
    %add3A_128 = arith.addf %add3A_119, %mul3A_127 : vector<400x128xf32>
    %get3A_129 = arith.constant 14 : index
    %get3A_130 = arith.constant 0 : index
    %get3A_131 = arith.constant 0 : index
    %get3A_132 = vector.load %arg2[%get3A_129, %get3A_130, %get3A_131] : memref<16x400x128xf32, #tpu.memory_space<vmem>>, vector<1x400x128xf32>
    %get3A_133 = vector.shape_cast %get3A_132 : vector<1x400x128xf32> to vector<400x128xf32>
    %mul3A_134 = arith.constant 1.400000e+01 : f32
    %mul3A_135 = vector.broadcast %mul3A_134 : f32 to vector<400x128xf32>
    %mul3A_136 = arith.mulf %mul3A_135, %get3A_133 : vector<400x128xf32>
    %add3A_137 = arith.addf %add3A_128, %mul3A_136 : vector<400x128xf32>
    %get3A_138 = arith.constant 15 : index
    %get3A_139 = arith.constant 0 : index
    %get3A_140 = arith.constant 0 : index
    %get3A_141 = vector.load %arg2[%get3A_138, %get3A_139, %get3A_140] : memref<16x400x128xf32, #tpu.memory_space<vmem>>, vector<1x400x128xf32>
    %get3A_142 = vector.shape_cast %get3A_141 : vector<1x400x128xf32> to vector<400x128xf32>
    %mul3A_143 = arith.constant 1.500000e+01 : f32
    %mul3A_144 = vector.broadcast %mul3A_143 : f32 to vector<400x128xf32>
    %mul3A_145 = arith.mulf %mul3A_144, %get3A_142 : vector<400x128xf32>
    %add3A_146 = arith.addf %add3A_137, %mul3A_145 : vector<400x128xf32>
    %get3A_147 = arith.constant 0 : index
    %get3A_148 = arith.constant 0 : index
    %get3A_149 = vector.load %arg3[%get3A_147, %get3A_148] : memref<400x128xf32, #tpu.memory_space<vmem>>, vector<400x128xf32>
    %gt3A_150 = arith.constant 5.000000e-01 : f32
    %gt3A_151 = vector.broadcast %gt3A_150 : f32 to vector<400x128xf32>
    %gt3A_152 = arith.cmpf ogt, %get3A_149, %gt3A_151 : vector<400x128xf32>
    %convert_element_type3A = arith.fptosi %add3A_146 : vector<400x128xf32> to vector<400x128xi32>
    %jit3A_153 = arith.constant 16 : i32
    %broadcast_in_dim3A_154 = vector.broadcast %jit3A_153 : i32 to vector<400x128xi32>
    %select_n3A_155 = arith.select %gt3A_152, %convert_element_type3A, %broadcast_in_dim3A_154 : vector<400x128xi1>, vector<400x128xi32>
    %swap3A_156 = arith.constant 0 : index
    %swap3A_157 = arith.constant 0 : index
    %swap3A_158 = vector.load %arg5[%swap3A_156, %swap3A_157] : memref<400x128xi32, #tpu.memory_space<vmem>>, vector<400x128xi32>
    tpu.vector_store %arg5[%swap3A_156, %swap3A_157], %select_n3A_155 {strides = array<i32>} : memref<400x128xi32, #tpu.memory_space<vmem>>, vector<400x128xi32>,
    return
  }
}

module attributes {stable_mosaic.version = 14 : i64} {
  func.func @body(%arg0: memref<17x51200xf32, #tpu.memory_space<vmem>>, %arg1: memref<16x51200xf32, #tpu.memory_space<vmem>>, %arg2: memref<16x51200xf32, #tpu.memory_space<vmem>>, %arg3: memref<1x51200xf32, #tpu.memory_space<vmem>>, %arg4: memref<16x16xf32, #tpu.memory_space<vmem>>) attributes {dimension_semantics = [], scalar_prefetch = 0 : i64, scratch_operands = 0 : i64, tpu.core_type = #tpu.core_type<tc>} {
    %get3A = arith.constant 0 : index
    %get3A_0 = arith.constant 0 : index
    %get3A_1 = vector.load %arg1[%get3A, %get3A_0] : memref<16x51200xf32, #tpu.memory_space<vmem>>, vector<16x51200xf32>
    %reduce_max3A = arith.constant dense<0xFF800000> : vector<51200xf32>
    %reduce_max3A_2 = vector.multi_reduction <maximumf>, %get3A_1, %reduce_max3A [0] : vector<16x51200xf32> to vector<51200xf32>
    %broadcast_in_dim3A = vector.shape_cast %reduce_max3A_2 : vector<51200xf32> to vector<1x51200xf32>
    %sub3A = vector.broadcast %broadcast_in_dim3A : vector<1x51200xf32> to vector<16x51200xf32>
    %sub3A_3 = arith.subf %get3A_1, %sub3A : vector<16x51200xf32>
    %exp3A = math.exp %sub3A_3 : vector<16x51200xf32>
    %reduce_sum3A = arith.constant dense<0.000000e+00> : vector<51200xf32>
    %reduce_sum3A_4 = vector.multi_reduction <add>, %exp3A, %reduce_sum3A [0] : vector<16x51200xf32> to vector<51200xf32>
    %broadcast_in_dim3A_5 = vector.shape_cast %reduce_sum3A_4 : vector<51200xf32> to vector<1x51200xf32>
    %div3A = vector.broadcast %broadcast_in_dim3A_5 : vector<1x51200xf32> to vector<16x51200xf32>
    %div3A_6 = arith.divf %exp3A, %div3A : vector<16x51200xf32>
    %get3A_7 = arith.constant 0 : index
    %get3A_8 = arith.constant 0 : index
    %get3A_9 = vector.load %arg3[%get3A_7, %get3A_8] : memref<1x51200xf32, #tpu.memory_space<vmem>>, vector<1x51200xf32>
    %get3A_10 = arith.constant 0 : index
    %get3A_11 = arith.constant 0 : index
    %get3A_12 = vector.load %arg2[%get3A_10, %get3A_11] : memref<16x51200xf32, #tpu.memory_space<vmem>>, vector<16x51200xf32>
    %sub3A_13 = arith.constant 1.000000e+00 : f32
    %sub3A_14 = vector.broadcast %sub3A_13 : f32 to vector<1x51200xf32>
    %sub3A_15 = arith.subf %sub3A_14, %get3A_9 : vector<1x51200xf32>
    %mul3A = vector.broadcast %sub3A_15 : vector<1x51200xf32> to vector<16x51200xf32>
    %mul3A_16 = arith.mulf %div3A_6, %mul3A : vector<16x51200xf32>
    %mul3A_17 = vector.broadcast %get3A_9 : vector<1x51200xf32> to vector<16x51200xf32>
    %mul3A_18 = arith.mulf %get3A_12, %mul3A_17 : vector<16x51200xf32>
    %add3A = arith.addf %mul3A_16, %mul3A_18 : vector<16x51200xf32>
    %mul3A_19 = vector.broadcast %get3A_9 : vector<1x51200xf32> to vector<16x51200xf32>
    %mul3A_20 = arith.mulf %get3A_12, %mul3A_19 : vector<16x51200xf32>
    %reduce_sum3A_21 = arith.constant dense<0.000000e+00> : vector<16xf32>
    %reduce_sum3A_22 = vector.multi_reduction <add>, %mul3A_20, %reduce_sum3A_21 [1] : vector<16x51200xf32> to vector<16xf32>
    %broadcast_in_dim3A_23 = vector.shape_cast %reduce_sum3A_22 : vector<16xf32> to vector<16x1xf32>
    %get3A_24 = arith.constant 0 : index
    %get3A_25 = arith.constant 0 : index
    %get3A_26 = vector.load %arg0[%get3A_24, %get3A_25] : memref<17x51200xf32, #tpu.memory_space<vmem>>, vector<17x51200xf32>
    %dot_general3A = arith.constant dense<0.000000e+00> : vector<17x16xf32>
    %dot_general3A_27 = tpu.matmul %get3A_26, %add3A, %dot_general3A {dimension_numbers = #tpu.dot_dimension_numbers<[1], [1], [0], [0], [0, 0, 1, 0], [], []>, transpose_lhs_hint = false} : vector<17x51200xf32>, vector<16x51200xf32>, vector<17x16xf32> -> vector<17x16xf32>
    %slice3A = vector.extract_strided_slice %dot_general3A_27 {offsets = [0, 0], sizes = [16, 16], strides = [1, 1]} : vector<17x16xf32> to vector<16x16xf32>
    %div3A_28 = vector.broadcast %broadcast_in_dim3A_23 : vector<16x1xf32> to vector<16x16xf32>
    %div3A_29 = arith.divf %slice3A, %div3A_28 : vector<16x16xf32>
    %ne3A = arith.cmpf one, %div3A_29, %div3A_29 : vector<16x16xf32>
    %transpose3A = tpu.transpose %div3A_29, [1, 0] : vector<16x16xf32> -> vector<16x16xf32>
    %select_n3A = arith.select %ne3A, %transpose3A, %div3A_29 : vector<16x16xi1>, vector<16x16xf32>
    %ne3A_30 = arith.cmpf one, %select_n3A, %select_n3A : vector<16x16xf32>
    %jit3A = arith.constant 0.000000e+00 : f32
    %broadcast_in_dim3A_31 = vector.broadcast %jit3A : f32 to vector<16x16xf32>
    %select_n3A_32 = arith.select %ne3A_30, %broadcast_in_dim3A_31, %select_n3A : vector<16x16xi1>, vector<16x16xf32>
    %reduce_sum3A_33 = arith.constant dense<0.000000e+00> : vector<16xf32>
    %reduce_sum3A_34 = vector.multi_reduction <add>, %select_n3A_32, %reduce_sum3A_33 [1] : vector<16x16xf32> to vector<16xf32>
    %broadcast_in_dim3A_35 = vector.shape_cast %reduce_sum3A_34 : vector<16xf32> to vector<16x1xf32>
    %sub3A_36 = arith.constant 1.000000e+00 : f32
    %sub3A_37 = vector.broadcast %sub3A_36 : f32 to vector<16x1xf32>
    %sub3A_38 = arith.subf %sub3A_37, %broadcast_in_dim3A_35 : vector<16x1xf32>
    %convert_element_type3A = arith.extui %ne3A_30 : vector<16x16xi1> to vector<16x16xi32>
    %convert_element_type3A_39 = arith.sitofp %convert_element_type3A : vector<16x16xi32> to vector<16x16xf32>
    %reduce_sum3A_40 = arith.constant dense<0.000000e+00> : vector<16xf32>
    %reduce_sum3A_41 = vector.multi_reduction <add>, %convert_element_type3A_39, %reduce_sum3A_40 [1] : vector<16x16xf32> to vector<16xf32>
    %broadcast_in_dim3A_42 = vector.shape_cast %reduce_sum3A_41 : vector<16xf32> to vector<16x1xf32>
    %div3A_43 = arith.divf %sub3A_38, %broadcast_in_dim3A_42 : vector<16x1xf32>
    %broadcast_in_dim3A_44 = vector.shape_cast %div3A_43 : vector<16x1xf32> to vector<16x1xf32>
    %broadcast_in_dim3A_45 = vector.broadcast %broadcast_in_dim3A_44 : vector<16x1xf32> to vector<16x16xf32>
    %select_n3A_46 = arith.select %ne3A_30, %broadcast_in_dim3A_45, %select_n3A_32 : vector<16x16xi1>, vector<16x16xf32>
    %while3A = arith.constant 0 : i32
    %while3A_47:2 = scf.while (%while3A_50 = %select_n3A_46, %while3A_51 = %while3A) : (vector<16x16xf32>, i32) -> (vector<16x16xf32>, i32) {
      %reduce_sum3A_52 = arith.constant dense<0.000000e+00> : vector<16xf32>
      %reduce_sum3A_53 = vector.multi_reduction <add>, %while3A_50, %reduce_sum3A_52 [0] : vector<16x16xf32> to vector<16xf32>
      %sub3A_54 = arith.constant 1.000000e+00 : f32
      %sub3A_55 = vector.broadcast %sub3A_54 : f32 to vector<16xf32>
      %sub3A_56 = arith.subf %reduce_sum3A_53, %sub3A_55 : vector<16xf32>
      %abs3A = math.absf %sub3A_56 : vector<16xf32>
      %reduce_max3A_57 = vector.shape_cast %abs3A : vector<16xf32> to vector<1x16xf32>
      %reduce_max3A_58 = arith.constant dense<0xFF800000> : vector<1xf32>
      %reduce_max3A_59 = vector.multi_reduction <maximumf>, %reduce_max3A_57, %reduce_max3A_58 [1] : vector<1x16xf32> to vector<1xf32>
      %reduce_max3A_60 = vector.shape_cast %reduce_max3A_59 : vector<1xf32> to vector<1x1xf32>
      %reduce_max3A_61 = vector.extract %reduce_max3A_60[0, 0] : f32 from vector<1x1xf32>
      %lt3A = arith.constant 3000 : i32
      %lt3A_62 = arith.cmpi slt, %while3A_51, %lt3A : i32
      %gt3A = arith.constant 5.000000e-07 : f32
      %gt3A_63 = arith.cmpf ogt, %reduce_max3A_61, %gt3A : f32
      %and3A = arith.andi %lt3A_62, %gt3A_63 : i1
      scf.condition(%and3A) %while3A_50, %while3A_51 : vector<16x16xf32>, i32
    } do {
    ^bb0(%while3A_50: vector<16x16xf32>, %while3A_51: i32):
      %scan3A = arith.constant 0 : i32
      %scan3A_52 = arith.constant 60 : i32
      %scan3A_53 = arith.addi %scan3A, %scan3A_52 : i32
      %scan3A_54 = arith.constant 1 : i32
      %scan3A_55 = scf.for %scan3A_59 = %scan3A to %scan3A_53 step %scan3A_54 iter_args(%scan3A_60 = %while3A_50) -> (vector<16x16xf32>)  : i32 {
        %reduce_sum3A_61 = arith.constant dense<0.000000e+00> : vector<16xf32>
        %reduce_sum3A_62 = vector.multi_reduction <add>, %scan3A_60, %reduce_sum3A_61 [0] : vector<16x16xf32> to vector<16xf32>
        %broadcast_in_dim3A_63 = vector.shape_cast %reduce_sum3A_62 : vector<16xf32> to vector<1x16xf32>
        %div3A_64 = vector.broadcast %broadcast_in_dim3A_63 : vector<1x16xf32> to vector<16x16xf32>
        %div3A_65 = arith.divf %scan3A_60, %div3A_64 : vector<16x16xf32>
        %reduce_sum3A_66 = arith.constant dense<0.000000e+00> : vector<16xf32>
        %reduce_sum3A_67 = vector.multi_reduction <add>, %div3A_65, %reduce_sum3A_66 [1] : vector<16x16xf32> to vector<16xf32>
        %broadcast_in_dim3A_68 = vector.shape_cast %reduce_sum3A_67 : vector<16xf32> to vector<16x1xf32>
        %div3A_69 = vector.broadcast %broadcast_in_dim3A_68 : vector<16x1xf32> to vector<16x16xf32>
        %div3A_70 = arith.divf %div3A_65, %div3A_69 : vector<16x16xf32>
        scf.yield %div3A_70 : vector<16x16xf32>
      }
      %scan3A_56 = arith.constant 60 : i32
      %add3A_57 = arith.constant 60 : i32
      %add3A_58 = arith.addi %while3A_51, %add3A_57 : i32
      scf.yield %scan3A_55, %add3A_58 : vector<16x16xf32>, i32
    }
    %swap3A = arith.constant 0 : index
    %swap3A_48 = arith.constant 0 : index
    %swap3A_49 = vector.load %arg4[%swap3A, %swap3A_48] : memref<16x16xf32, #tpu.memory_space<vmem>>, vector<16x16xf32>
    tpu.vector_store %arg4[%swap3A, %swap3A_48], %while3A_47#0 {strides = array<i32>} : memref<16x16xf32, #tpu.memory_space<vmem>>, vector<16x16xf32>,
    return
  }
}

</mosaic_0001>

<sc_bundles>
// kernel: kernel.6.cloned.1.call-start
scs
__scs_entry_jumppad:
0x0: {  	(pc) =	sbr.rel $0x88, $3  }
0x1: {  	(tag) =	ssettag $0x0;
	lr =	simm.s32 $0x1  }
0x2: {  	[smem:$0x3F9C] =	sst lr;
	_ =	strace $0xD0000000  }
0x3: {  	_ = 	snop  }
0x4: {  	_ = 	snop  }
0x5: {  	_ = 	snop  }
0x6: {  	_ = 	snop  }
0x7: {  	_ = 	snop  }
__scs_overlays_trampoline_lowered:
0x8: {  	[smem:$0x3FAB] =	sst s0  }
0x9: {  	[smem:$0x3FAC] =	sst s1  }
0xa: {  	[smem:$0x3FAD] =	sst s2  }
0xb: {  	[smem:$0x3FAE] =	sst s3  }
0xc: {  	[smem:$0x3FAF] =	sst s4  }
0xd: {  	[smem:$0x3FB0] =	sst s5  }
0xe: {  	[smem:$0x3FB1] =	sst s6  }
0xf: {  	[smem:$0x3FB2] =	sst s7  }
0x10: {  	[smem:$0x3FB3] =	sst s8  }
0x11: {  	[smem:$0x3FB4] =	sst s9;
	s0 =	simm.s32 @!p0 $0x0  }
0x12: {  	s1 =	sld [smem:$0x3F9A];
	s0 =	simm.s32 @p0 $0x1  }
0x13: {  	[smem:$0x3FB5] =	sst s0;
	s0 =	simm.s32 @!p1 $0x0  }
0x14: {  	s2 =	sld [smem:$0x3F99];
	s0 =	simm.s32 @p1 $0x1  }
0x15: {  	[smem:$0x3FB6] =	sst s0;
	s0 =	simm.s32 @!p2 $0x0  }
0x16: {  	s3 =	sld [smem:$0x3FDB];
	s0 =	simm.s32 @p2 $0x1  }
0x17: {  	s4 =	simm.s32 $0x1BF5;
	[smem:$0x3FB8] =	sst s0  }
0x18: {  	s0 =	sld [smem:$0x3F9B];
	_ =	swait.ge [sflag:s4], $0x0  }
0x19: {  	s7 =	sld [smem:$0x3F9C]  }
0x1a: {  	s8 =	sadd.s32 $0xFFFFE003, lr  }
0x1b: {  	s9 =	sadd.s32 $0xFFFFFEF7, lr;
	s5 =	simm.s32 $0xFFFFFFFF;
	p2 =	slt.u32 s8, $0xFFFFF086  }
0x1c: {  	p1 =	slt.u32 s9, $0xF7A;
	s5 =	simm.s32 @!p2 $0x0  }
0x1d: {  	s5 =	simm.s32 @p1 $0x1;
	p0 =	seq.s32 s7, s2  }
0x1e: {  	s7 =	smul.u32 @!p0 $0xF7A, s2;
	p2 =	seq.s32 @!p0 s5, $0x0  }
0x1f: {  	s9 =	smul.u32 $0xF7A, s1;
	s8 =	simm.s32 @!p0 $0x1BF5;
	p2 =	por !p2, p0  }
0x20: {  	[sflag:s8] =	ssyncset.s32 @!p0 $0xFFFFF086;
	s6 =	sadd.s32 @!p0 s3, s7;
	s7 =	simm.s32 @!p0 $0x108  }
0x21: {  	s3 =	sadd.s32 s3, s9;
	s6 =	sadd.s32 @!p0 $0x88, s6;
	s7 =	simm.s32 @p2 $0x1082  }
0x22: {  	[simem:s7], [sflag:s8] =	dma.local @!p0 [hbm:s6], $0xF7A  }
0x23: {  	s9 =	sor.u32 $0xD0000000, s2;
	s6 =	simm.s32 $0x108;
	_ =	swait.ge @!p0 [sflag:s8], $0x0  }
0x24: {  	s3 =	sadd.s32 $0x88, s3;
	s6 =	simm.s32 @!p1 $0x1082;
	[sflag:s4] =	ssyncset.s32 $0xFFFFF086  }
0x25: {  	[simem:s6], [sflag:s4] =	dma.local [hbm:s3], $0xF7A  }
0x26: {  	[smem:$0x3F9C] =	sst s1;
	(tag) =	ssettag s2;
	_ =	strace s9  }
0x27: {  	s1 =	sld [smem:$0x3FAC]  }
0x28: {  	s2 =	sld [smem:$0x3FAD]  }
0x29: {  	s4 =	sld [smem:$0x3FAF]  }
0x2a: {  	p0 =	seq.s32 s5, $0x0;
	s5 =	sld [smem:$0x3FB0]  }
0x2b: {  	s6 =	sld [smem:$0x3FB1]  }
0x2c: {  	s7 =	sld [smem:$0x3FB2]  }
0x2d: {  	s3 =	simm.s32 $0x108;
	s8 =	sld [smem:$0x3FB3]  }
0x2e: {  	s3 =	simm.s32 @!p0 $0x1082;
	s9 =	sld [smem:$0x3FB4]  }
0x2f: {  	lr =	sadd.s32 s0, s3;
	s0 =	sld [smem:$0x3FAB]  }
0x30: {  	s3 =	sld [smem:$0x3FAE]  }
0x31: {  	[smem:$0x3FB7] =	sst s10  }
0x32: {  	s10 =	sld [smem:$0x3FB5];
	_ =	sdelay $0x3  }
0x33: {  	p0 =	seq.s32 s10, $0x1;
	s10 =	sld [smem:$0x3FB7];
	_ =	sdelay $0x3  }
0x34: {  	[smem:$0x3FB7] =	sst s10  }
0x35: {  	s10 =	sld [smem:$0x3FB6];
	_ =	sdelay $0x3  }
0x36: {  	p1 =	seq.s32 s10, $0x1;
	s10 =	sld [smem:$0x3FB7];
	_ =	sdelay $0x3  }
0x37: {  	[smem:$0x3FB7] =	sst s10  }
0x38: {  	s10 =	sld [smem:$0x3FB8]  }
0x39: {  	_ = 	snop;
	(pc) =	sbr.ind lr, $3  }
0x3a: {  	_ = 	snop  }
0x3b: {  	_ = 	snop  }
0x3c: {  	p2 =	seq.s32 s10, $0x1;
	s10 =	sld [smem:$0x3FB7]  }
0x3d: {  	_ =	shalt  }
0x3e: {  	_ =	shalt  }
0x3f: {  	_ =	shalt  }
0x40: {  	_ =	shalt  }
0x41: {  	_ =	shalt  }
0x42: {  	_ =	shalt  }
0x43: {  	_ =	shalt  }
0x44: {  	_ =	shalt  }
0x45: {  	_ =	shalt  }
0x46: {  	_ =	shalt  }
0x47: {  	_ =	shalt  }
0x48: {  	_ =	shalt  }
0x49: {  	_ =	shalt  }
0x4a: {  	_ =	shalt  }
0x4b: {  	_ =	shalt  }
0x4c: {  	_ =	shalt  }
0x4d: {  	_ =	shalt  }
0x4e: {  	_ =	shalt  }
0x4f: {  	_ =	shalt  }
0x50: {  	_ =	shalt  }
0x51: {  	_ =	shalt  }
0x52: {  	_ =	shalt  }
0x53: {  	_ =	shalt  }
0x54: {  	_ =	shalt  }
0x55: {  	_ =	shalt  }
0x56: {  	_ =	shalt  }
0x57: {  	_ =	shalt  }
0x58: {  	_ =	shalt  }
0x59: {  	_ =	shalt  }
0x5a: {  	_ =	shalt  }
0x5b: {  	_ =	shalt  }
0x5c: {  	_ =	shalt  }
0x5d: {  	_ =	shalt  }
0x5e: {  	_ =	shalt  }
0x5f: {  	_ =	shalt  }
0x60: {  	_ =	shalt  }
0x61: {  	_ =	shalt  }
0x62: {  	_ =	shalt  }
0x63: {  	_ =	shalt  }
0x64: {  	_ =	shalt  }
0x65: {  	_ =	shalt  }
0x66: {  	_ =	shalt  }
0x67: {  	_ =	shalt  }
0x68: {  	_ =	shalt  }
0x69: {  	_ =	shalt  }
0x6a: {  	_ =	shalt  }
0x6b: {  	_ =	shalt  }
0x6c: {  	_ =	shalt  }
0x6d: {  	_ =	shalt  }
0x6e: {  	_ =	shalt  }
0x6f: {  	_ =	shalt  }
0x70: {  	_ =	shalt  }
0x71: {  	_ =	shalt  }
0x72: {  	_ =	shalt  }
0x73: {  	_ =	shalt  }
0x74: {  	_ =	shalt  }
0x75: {  	_ =	shalt  }
0x76: {  	_ =	shalt  }
0x77: {  	_ =	shalt  }
0x78: {  	_ =	shalt  }
0x79: {  	_ =	shalt  }
0x7a: {  	_ =	shalt  }
0x7b: {  	_ =	shalt  }
0x7c: {  	_ =	shalt  }
0x7d: {  	_ =	shalt  }
0x7e: {  	_ =	shalt  }
0x7f: {  	_ =	shalt  }
0x80: {  	_ =	shalt  }
0x81: {  	_ =	shalt  }
0x82: {  	_ =	shalt  }
0x83: {  	_ =	shalt  }
0x84: {  	_ =	shalt  }
0x85: {  	_ =	shalt  }
0x86: {  	_ =	shalt  }
0x87: {  	_ =	shalt  }
.Lfunc_end0:
.L_simem_size_0:
called_computation_lowered:
.L_overlay_start_0:
0x88: {  	s2 =	sld [smem:$0x3FD9]  }
0x89: {  	s3 =	sld [smem:$0x3FFE];
	_ =	sdelay $0x1  }
0x8a: {  	s1 =	srdreg.scid  }
0x8b: {  	s0 =	sand.u32 $0x1, s1  }
0x8c: {  	s17 =	sshll.u32 s0, $0xA;
	s2 =	sadd.s32 s3, s2  }
0x8d: {  	s2 =	sadd.s32 s2, s17  }
0x8e: {  	[smem:$0x3FC3] =	sst s2  }
0x8f: {  	_ = 	snop  }
0x90: {  	s2 =	sld [smem:$0x3FC8];
	(tm) =	ssettm $0x1  }
0x91: {  	s18 =	sld [smem:$0x3FFB];
	_ =	sdelay $0x3  }
0x92: {  	_ =	strace s18  }
0x93: {  	s3 =	sld [smem:$0x3FFC];
	_ =	sdelay $0x3  }
0x94: {  	_ =	strace s3  }
0x95: {  	s3 =	sld [smem:$0x3FFD];
	_ =	sdelay $0x3  }
0x96: {  	_ =	strace s3  }
0x97: {  	_ =	strace $0x8FFFFFFF  }
0x98: {  	s19 =	sld [smem:$0x3FDB];
	_ =	sdelay $0x1  }
0x99: {  	s4 =	simm.s32 $_scs_section_size  }
0x9a: {  	s5 =	simm.s32 $_size__tile_overlayer_lowered;
	s6 =	simm.s32 $_tile_overlayer_lowered  }
0x9b: {  	s22 =	simm.s32 $0x1BFF;
	s21 =	sshll.u32 s6, $0x1;
	s3 =	sadd.s32 s4, s19  }
0x9c: {  	s7 =	simm.s32 $0x0;
	s20 =	sshll.u32 s5, $0x1;
	s5 =	sadd.s32 s21, s3  }
0x9d: {  	[timem:s7], [sflag:s22] =	dma.local [hbm:s5], s20  }
0x9e: {  	_ =	swait.ge [sflag:s22], s20  }
0x9f: {  	s4 =	ssub.s32 $0x0, s20;
	[sflag:s22] =	ssyncset.done $0x0  }
0xa0: {  	[sflag:s22] =	ssyncadd.s32 s4;
	_ =	sdelay $0x1  }
0xa1: {  	s23 =	simm.s32 $0x1B8B  }
0xa2: {  	_ =	swait.ge [sflag:s23], $0x1  }
0xa3: {  	[sflag:s23] =	ssyncset.done $0x0  }
0xa4: {  	s25 =	simm.s32 $0x1B8E;
	s24 =	sld [smem:$0x3FFE];
	[sflag:s23] =	ssyncadd.s32 $0xFFFFFFFF  }
0xa5: {  	s26 =	simm.s32 $execute0_lowered;
	[smem:$0x3FD2] =	sst s25  }
0xa6: {  	s5 =	sshll.u32 s26, $0x1;
	_ =	strace $0x80000046;
	[dreg:$0x1] =	wrdreg $0xFFFFFFFF  }
0xa7: {  	s28 =	simm.s32 $_size_execute0_lowered;
	s3 =	sadd.s32 s3, s5;
	[dreg:$0x0] =	wrdreg $0x0  }
0xa8: {  	s5 =	sshll.u32 s28, $0x1;
	[dreg:$0x2] =	wrdreg s3  }
0xa9: {  	[dreg:$0x3] =	wrdreg s5  }
0xaa: {  	[dreg:$0x4] =	wrdreg $0xC0  }
0xab: {  	_ =	task [dreg:s7], $0x5FFFF  }
0xac: {  	[dreg:$0x1] =	wrdreg $0xFFFFFFFF  }
0xad: {  	[dreg:$0x0] =	wrdreg $0x60  }
0xae: {  	[dreg:$0x2] =	wrdreg s24  }
0xaf: {  	[dreg:$0x3] =	wrdreg s2  }
0xb0: {  	[dreg:$0x4] =	wrdreg $0x187000  }
0xb1: {  	[dreg:$0x5] =	wrdreg $0x9  }
0xb2: {  	_ =	task.clear_ibuf [dreg:s7], $0x6FFFF;
	_ =	strace $0x90000046  }
0xb3: {  	s29 =	simm.s32 $0x9;
	_ =	strace $0x80000048  }
0xb4: {  	_ =	swait.ge [sflag:s29], $0x1  }
0xb5: {  	[sflag:s29] =	ssyncadd.s32 $0xFFFFFFFF  }
0xb6: {  	_ =	strace $0x90000048  }
0xb7: {  	_ =	sfence  }
0xb8: {  	s30 =	sld [smem:$0x0];
	_ =	sdelay $0x2  }
0xb9: {  	s31 =	sshll.u32 s1, $0xD;
	s1 =	sshrl.u32 s1, $0x2  }
0xba: {  	s3 =	sand.u32 $0x4000, s31;
	s1 =	sadd.s32 s1, s30  }
0xbb: {  	s0 =	sor.u32 s3, s0;
	s1 =	sshll.u32 s1, $0x11  }
0xbc: {  	s0 =	sor.u32 s1, s0  }
0xbd: {  	s0 =	sadd.s32 $0x8F2B, s0  }
0xbe: {  	[sflag:s0] =	ssyncadd.remote.s32 $0x1  }
0xbf: {  	_ =	sfence.sel $0xFFFF  }
0xc0: {  	[dreg:$0x0] =	wrdreg $0xFFFFFFFF;
	(pc) =	sbr.abs _section_cstart, $3  }
0xc1: {  	[dreg:$0x1] =	wrdreg $0xFFFFFFFF  }
0xc2: {  	_ =	task.clear_ibuf [dreg:s7], $0x2FFFF;
	_ =	strace $0x9FFFFFFF  }
0xc3: {  	(tm) =	ssettm $0x7FFFFFFF  }
tec
execute0_lowered:
.L_overlay_start_1:
0x0: {  	(tag) =	ssettag $0x1  }
0x1: {  	s12 =	rddreg [dreg:$0x0]  }
0x2: {  	s9 =	rddreg [dreg:$0x1]  }
0x3: {  	s2 =	rddreg [dreg:$0x2]  }
0x4: {  	s0 =	rddreg [dreg:$0x3];
	s1 =	stileid.u32  }
0x5: {  	s4 =	srdreg.scid;
	s3 =	simm.s32 $0x0;
	s26 =	smul.u32 $0x3200, s1  }
0x6: {  	s11 =	sand.u32 $0x1, s4;
	[smem:$0x7FF] =	sst s3;
	s4 =	sadd.s32 $0x61C00, s12  }
0x7: {  	s29 =	sshll.u32 s1, $0x6;
	s5 =	sshll.u32 s11, $0x4;
	s28 =	sshrl.u32 s26, $0x2  }
0x8: {  	_ =	strace $0x80000047;
	s8 =	sor.u32 s1, s5;
	s6 =	sadd.s32 s28, s2  }
0x9: {  	s5 =	sor.u32 $0x1C01, s29;
	s7 =	sshrl.u32 s6, $0x3;
	s6 =	simm.s32 $0x1  }
0xa: {  	[spmem:s7], [sflag:s5] =	dma.local [hbm:s4], $0x190  }
0xb: {  	s10 =	smul.u32 $0x186A, s8;
	_ =	swait.ge [sflag:s6], $0x190  }
0xc: {  	[sflag:s6] =	ssyncset.done $0x0  }
0xd: {  	s8 =	sadd.s32 s10, s12;
	[sflag:s6] =	ssyncadd.s32 $0xFFFFFE70  }
0xe: {  	s8 =	sadd.s32 $0x30E00, s8;
	[bflag:$0x0] =	sbarrier.arrive $0xFFFF  }
0xf: {  	[tilespmem:s3], [sflag:$0x1] =	stream.linear.gather [hbm4b:s8+s3], $0xC350, $0x38;
	[tilespmem:$0x19380] =	vst v63  }
0x10: {  	_ =	swait.ge [sflag:s6], $0xC350  }
0x11: {  	s13 =	smul.u32 $0x1900, s1;
	[sflag:s6] =	ssyncset.done $0x0  }
0x12: {  	s9 =	sadd.s32 s9, s10;
	s10 =	simm.s32 $0xC380;
	[sflag:s6] =	ssyncadd.s32 $0xFFFF3CB0  }
0x13: {  	[tilespmem:s10], [sflag:$0x1] =	stream.linear.gather [hbm4b:s9+s3], $0xC350, $0x38;
	[tilespmem:$0x19380] =	vst v63  }
0x14: {  	s14 =	sshll.u32 s11, $0x7;
	s30 =	ssub.s32 $0x2, s11;
	_ =	swait.ge [sflag:s6], $0xC350  }
0x15: {  	s11 =	simm.s32 $0xC350;
	s15 =	sshrl.u32 s30, $0x1;
	[sflag:s6] =	ssyncset.done $0x0  }
0x16: {  	s13 =	sor.u32 s14, s13;
	s31 =	ssub.s32 s30, s15;
	[sflag:s6] =	ssyncadd.s32 $0xFFFF3CB0  }
0x17: {  	[spmem:s2] =	stream.indirect.scatter.add.f32 [tilespmem:s10], [sflag:$0x1], $0x1, s3, s11, $0xb8;
	[tilespmem:$0x19380] =	vst v63  }
0x18: {  	s14 =	simm.s32 $0x10;
	s15 =	smax.u32 s31, $0x1;
	_ =	swait.ge [sflag:s6], $0xC350  }
0x19: {  	s13 =	sshrl.u32 s13, $0x3;
	p0 =	sne.s32 s15, $0x1;
	[sflag:s6] =	ssyncset.done $0x0  }
.Ltmp0:
0x1a: {  	s12 =	sadd.s32 s13, s12;
	[sflag:s6] =	ssyncadd.s32 $0xFFFF3CB0;
	(pc) =	sbr.rel @!p0 .LBB2_2-.Ltmp0, $4  }
0x1b: {  	s13 =	simm.s32 $0x20;
	s12 =	sadd.s32 $0x61E00, s12;
	[bflag:$0x0] =	sbarrier.arrive $0xFFFF  }
0x1c: {  	[hbm:s12@s13], [sflag:s5] =	dma.strided [spmem:s7@s14], $0x190, s6, $0x10   }
0x1d: {  	_ =	swait.ge [sflag:s6], $0x190  }
0x1e: {  	s15 =	sadd.s32 $0xFFFFFFFF, s15;
	[sflag:s6] =	ssyncset.done $0x0  }
.LBB2_1:
0x1f: {  	p0 =	sne.s32 s15, $0x1;
	s15 =	sadd.s32 $0xFFFFFFFF, s15;
	[sflag:s6] =	ssyncadd.s32 $0xFFFFFE70  }
0x20: {  	[spmem:s7], [sflag:s5] =	dma.local [hbm:s4], $0x190  }
0x21: {  	_ =	swait.ge [sflag:s6], $0x190  }
0x22: {  	[sflag:s6] =	ssyncset.done $0x0  }
0x23: {  	[sflag:s6] =	ssyncadd.s32 $0xFFFFFE70  }
0x24: {  	[bflag:$0x0] =	sbarrier.arrive $0xFFFF  }
0x25: {  	[tilespmem:s3], [sflag:$0x1] =	stream.linear.gather [hbm4b:s8+s3], $0xC350, $0x38;
	[tilespmem:$0x19380] =	vst v63  }
0x26: {  	_ =	swait.ge [sflag:s6], $0xC350  }
0x27: {  	[sflag:s6] =	ssyncset.done $0x0  }
0x28: {  	[sflag:s6] =	ssyncadd.s32 $0xFFFF3CB0  }
0x29: {  	[tilespmem:s10], [sflag:$0x1] =	stream.linear.gather [hbm4b:s9+s3], $0xC350, $0x38;
	[tilespmem:$0x19380] =	vst v63  }
0x2a: {  	_ =	swait.ge [sflag:s6], $0xC350  }
0x2b: {  	[sflag:s6] =	ssyncset.done $0x0  }
0x2c: {  	[sflag:s6] =	ssyncadd.s32 $0xFFFF3CB0  }
0x2d: {  	[spmem:s2] =	stream.indirect.scatter.add.f32 [tilespmem:s10], [sflag:$0x1], $0x1, s3, s11, $0xb8;
	[tilespmem:$0x19380] =	vst v63  }
0x2e: {  	_ =	swait.ge [sflag:s6], $0xC350  }
0x2f: {  	[sflag:s6] =	ssyncset.done $0x0  }
.Ltmp1:
0x30: {  	[sflag:s6] =	ssyncadd.s32 $0xFFFF3CB0;
	(pc) =	sbr.rel @p0 .LBB2_1-.Ltmp1, $4  }
0x31: {  	[bflag:$0x0] =	sbarrier.arrive $0xFFFF  }
0x32: {  	[hbm:s12@s13], [sflag:s5] =	dma.strided [spmem:s7@s14], $0x190, s6, $0x10   }
0x33: {  	_ =	swait.ge [sflag:s6], $0x190  }
0x34: {  	[sflag:s6] =	ssyncset.done $0x0  }
.LBB2_2:
0x35: {  	[sflag:s6] =	ssyncadd.s32 $0xFFFFFE70  }
0x36: {  	_ =	sfence.sel $0x180000  }
0x37: {  	[bflag:$0x0] =	sbarrier.arrive $0xFFFF  }
0x38: {  	p0 =	sne.s32 s1, $0x0;
	_ =	strace $0x90000047  }
0x39: {  	s0 =	sadd.s32 @!p0 $0x100000, s0;
	[bflag:$0x2] =	sbarrier.arrive $0xFFFF  }
0x3a: {  	[sflag:s0] =	ssyncadd.tile.s32 @!p0 $0x1;
	_ =	shalt  }
.Lfunc_end2:
_tile_overlayer_lowered:
.L_overlay_start_2:
0x3b: {  	(tag) =	ssettag $0x2  }
0x3c: {  	s0 =	rddreg [dreg:$0x0];
	s2 =	stileid.u32  }
0x3d: {  	s1 =	rddreg [dreg:$0x1];
	p0 =	sne.s32 s2, $0x0  }
0x3e: {  	s3 =	rddreg [dreg:$0x2];
	[bflag:$0x3] =	sbarrier.arrive $0xFFFF;
	s2 =	simm.s32 @!p0 $0x1C01  }
0x3f: {  	[timem:s3], [sflag:s2] =	dma.local @!p0 [hbm:s0], s1  }
0x40: {  	s0 =	simm.s32 @!p0 $0x1  }
0x41: {  	_ =	swait.ge @!p0 [sflag:s0], s1  }
0x42: {  	s1 =	ssub.s32 @!p0 $0x0, s1;
	[sflag:s0] =	ssyncset.done @!p0 $0x0  }
0x43: {  	[sflag:s0] =	ssyncadd.s32 @!p0 s1  }
0x44: {  	[bflag:$0x3] =	sbarrier.arrive $0xFFFF  }
0x45: {  	_ =	shalt  }

// kernel: kernel.9.cloned.1.call-start
scs
__scs_entry_jumppad:
0x0: {  	(pc) =	sbr.rel $0x88, $3  }
0x1: {  	(tag) =	ssettag $0x0;
	lr =	simm.s32 $0x1  }
0x2: {  	[smem:$0x3F9C] =	sst lr;
	_ =	strace $0xD0000000  }
0x3: {  	_ = 	snop  }
0x4: {  	_ = 	snop  }
0x5: {  	_ = 	snop  }
0x6: {  	_ = 	snop  }
0x7: {  	_ = 	snop  }
__scs_overlays_trampoline_lowered:
0x8: {  	[smem:$0x3FAB] =	sst s0  }
0x9: {  	[smem:$0x3FAC] =	sst s1  }
0xa: {  	[smem:$0x3FAD] =	sst s2  }
0xb: {  	[smem:$0x3FAE] =	sst s3  }
0xc: {  	[smem:$0x3FAF] =	sst s4  }
0xd: {  	[smem:$0x3FB0] =	sst s5  }
0xe: {  	[smem:$0x3FB1] =	sst s6  }
0xf: {  	[smem:$0x3FB2] =	sst s7  }
0x10: {  	[smem:$0x3FB3] =	sst s8  }
0x11: {  	[smem:$0x3FB4] =	sst s9;
	s0 =	simm.s32 @!p0 $0x0  }
0x12: {  	s1 =	sld [smem:$0x3F9A];
	s0 =	simm.s32 @p0 $0x1  }
0x13: {  	[smem:$0x3FB5] =	sst s0;
	s0 =	simm.s32 @!p1 $0x0  }
0x14: {  	s2 =	sld [smem:$0x3F99];
	s0 =	simm.s32 @p1 $0x1  }
0x15: {  	[smem:$0x3FB6] =	sst s0;
	s0 =	simm.s32 @!p2 $0x0  }
0x16: {  	s3 =	sld [smem:$0x3FDB];
	s0 =	simm.s32 @p2 $0x1  }
0x17: {  	s4 =	simm.s32 $0x1BF5;
	[smem:$0x3FB8] =	sst s0  }
0x18: {  	s0 =	sld [smem:$0x3F9B];
	_ =	swait.ge [sflag:s4], $0x0  }
0x19: {  	s7 =	sld [smem:$0x3F9C]  }
0x1a: {  	s8 =	sadd.s32 $0xFFFFE003, lr  }
0x1b: {  	s9 =	sadd.s32 $0xFFFFFEF7, lr;
	s5 =	simm.s32 $0xFFFFFFFF;
	p2 =	slt.u32 s8, $0xFFFFF086  }
0x1c: {  	p1 =	slt.u32 s9, $0xF7A;
	s5 =	simm.s32 @!p2 $0x0  }
0x1d: {  	s5 =	simm.s32 @p1 $0x1;
	p0 =	seq.s32 s7, s2  }
0x1e: {  	s7 =	smul.u32 @!p0 $0xF7A, s2;
	p2 =	seq.s32 @!p0 s5, $0x0  }
0x1f: {  	s9 =	smul.u32 $0xF7A, s1;
	s8 =	simm.s32 @!p0 $0x1BF5;
	p2 =	por !p2, p0  }
0x20: {  	[sflag:s8] =	ssyncset.s32 @!p0 $0xFFFFF086;
	s6 =	sadd.s32 @!p0 s3, s7;
	s7 =	simm.s32 @!p0 $0x108  }
0x21: {  	s3 =	sadd.s32 s3, s9;
	s6 =	sadd.s32 @!p0 $0x88, s6;
	s7 =	simm.s32 @p2 $0x1082  }
0x22: {  	[simem:s7], [sflag:s8] =	dma.local @!p0 [hbm:s6], $0xF7A  }
0x23: {  	s9 =	sor.u32 $0xD0000000, s2;
	s6 =	simm.s32 $0x108;
	_ =	swait.ge @!p0 [sflag:s8], $0x0  }
0x24: {  	s3 =	sadd.s32 $0x88, s3;
	s6 =	simm.s32 @!p1 $0x1082;
	[sflag:s4] =	ssyncset.s32 $0xFFFFF086  }
0x25: {  	[simem:s6], [sflag:s4] =	dma.local [hbm:s3], $0xF7A  }
0x26: {  	[smem:$0x3F9C] =	sst s1;
	(tag) =	ssettag s2;
	_ =	strace s9  }
0x27: {  	s1 =	sld [smem:$0x3FAC]  }
0x28: {  	s2 =	sld [smem:$0x3FAD]  }
0x29: {  	s4 =	sld [smem:$0x3FAF]  }
0x2a: {  	p0 =	seq.s32 s5, $0x0;
	s5 =	sld [smem:$0x3FB0]  }
0x2b: {  	s6 =	sld [smem:$0x3FB1]  }
0x2c: {  	s7 =	sld [smem:$0x3FB2]  }
0x2d: {  	s3 =	simm.s32 $0x108;
	s8 =	sld [smem:$0x3FB3]  }
0x2e: {  	s3 =	simm.s32 @!p0 $0x1082;
	s9 =	sld [smem:$0x3FB4]  }
0x2f: {  	lr =	sadd.s32 s0, s3;
	s0 =	sld [smem:$0x3FAB]  }
0x30: {  	s3 =	sld [smem:$0x3FAE]  }
0x31: {  	[smem:$0x3FB7] =	sst s10  }
0x32: {  	s10 =	sld [smem:$0x3FB5];
	_ =	sdelay $0x3  }
0x33: {  	p0 =	seq.s32 s10, $0x1;
	s10 =	sld [smem:$0x3FB7];
	_ =	sdelay $0x3  }
0x34: {  	[smem:$0x3FB7] =	sst s10  }
0x35: {  	s10 =	sld [smem:$0x3FB6];
	_ =	sdelay $0x3  }
0x36: {  	p1 =	seq.s32 s10, $0x1;
	s10 =	sld [smem:$0x3FB7];
	_ =	sdelay $0x3  }
0x37: {  	[smem:$0x3FB7] =	sst s10  }
0x38: {  	s10 =	sld [smem:$0x3FB8]  }
0x39: {  	_ = 	snop;
	(pc) =	sbr.ind lr, $3  }
0x3a: {  	_ = 	snop  }
0x3b: {  	_ = 	snop  }
0x3c: {  	p2 =	seq.s32 s10, $0x1;
	s10 =	sld [smem:$0x3FB7]  }
0x3d: {  	_ =	shalt  }
0x3e: {  	_ =	shalt  }
0x3f: {  	_ =	shalt  }
0x40: {  	_ =	shalt  }
0x41: {  	_ =	shalt  }
0x42: {  	_ =	shalt  }
0x43: {  	_ =	shalt  }
0x44: {  	_ =	shalt  }
0x45: {  	_ =	shalt  }
0x46: {  	_ =	shalt  }
0x47: {  	_ =	shalt  }
0x48: {  	_ =	shalt  }
0x49: {  	_ =	shalt  }
0x4a: {  	_ =	shalt  }
0x4b: {  	_ =	shalt  }
0x4c: {  	_ =	shalt  }
0x4d: {  	_ =	shalt  }
0x4e: {  	_ =	shalt  }
0x4f: {  	_ =	shalt  }
0x50: {  	_ =	shalt  }
0x51: {  	_ =	shalt  }
0x52: {  	_ =	shalt  }
0x53: {  	_ =	shalt  }
0x54: {  	_ =	shalt  }
0x55: {  	_ =	shalt  }
0x56: {  	_ =	shalt  }
0x57: {  	_ =	shalt  }
0x58: {  	_ =	shalt  }
0x59: {  	_ =	shalt  }
0x5a: {  	_ =	shalt  }
0x5b: {  	_ =	shalt  }
0x5c: {  	_ =	shalt  }
0x5d: {  	_ =	shalt  }
0x5e: {  	_ =	shalt  }
0x5f: {  	_ =	shalt  }
0x60: {  	_ =	shalt  }
0x61: {  	_ =	shalt  }
0x62: {  	_ =	shalt  }
0x63: {  	_ =	shalt  }
0x64: {  	_ =	shalt  }
0x65: {  	_ =	shalt  }
0x66: {  	_ =	shalt  }
0x67: {  	_ =	shalt  }
0x68: {  	_ =	shalt  }
0x69: {  	_ =	shalt  }
0x6a: {  	_ =	shalt  }
0x6b: {  	_ =	shalt  }
0x6c: {  	_ =	shalt  }
0x6d: {  	_ =	shalt  }
0x6e: {  	_ =	shalt  }
0x6f: {  	_ =	shalt  }
0x70: {  	_ =	shalt  }
0x71: {  	_ =	shalt  }
0x72: {  	_ =	shalt  }
0x73: {  	_ =	shalt  }
0x74: {  	_ =	shalt  }
0x75: {  	_ =	shalt  }
0x76: {  	_ =	shalt  }
0x77: {  	_ =	shalt  }
0x78: {  	_ =	shalt  }
0x79: {  	_ =	shalt  }
0x7a: {  	_ =	shalt  }
0x7b: {  	_ =	shalt  }
0x7c: {  	_ =	shalt  }
0x7d: {  	_ =	shalt  }
0x7e: {  	_ =	shalt  }
0x7f: {  	_ =	shalt  }
0x80: {  	_ =	shalt  }
0x81: {  	_ =	shalt  }
0x82: {  	_ =	shalt  }
0x83: {  	_ =	shalt  }
0x84: {  	_ =	shalt  }
0x85: {  	_ =	shalt  }
0x86: {  	_ =	shalt  }
0x87: {  	_ =	shalt  }
.Lfunc_end0:
.L_simem_size_0:
called_computation.1_lowered:
.L_overlay_start_0:
0x88: {  	s2 =	sld [smem:$0x3FD9]  }
0x89: {  	s3 =	sld [smem:$0x3FFE];
	_ =	sdelay $0x1  }
0x8a: {  	s1 =	srdreg.scid  }
0x8b: {  	s0 =	sand.u32 $0x1, s1  }
0x8c: {  	s17 =	sshll.u32 s0, $0xA;
	s2 =	sadd.s32 s3, s2  }
0x8d: {  	s2 =	sadd.s32 s2, s17  }
0x8e: {  	[smem:$0x3FC3] =	sst s2  }
0x8f: {  	_ = 	snop  }
0x90: {  	s2 =	sld [smem:$0x3FC8];
	(tm) =	ssettm $0x1  }
0x91: {  	s18 =	sld [smem:$0x3FFB];
	_ =	sdelay $0x3  }
0x92: {  	_ =	strace s18  }
0x93: {  	s3 =	sld [smem:$0x3FFC];
	_ =	sdelay $0x3  }
0x94: {  	_ =	strace s3  }
0x95: {  	s3 =	sld [smem:$0x3FFD];
	_ =	sdelay $0x3  }
0x96: {  	_ =	strace s3  }
0x97: {  	_ =	strace $0x8FFFFFFF  }
0x98: {  	s19 =	sld [smem:$0x3FDB];
	_ =	sdelay $0x1  }
0x99: {  	s4 =	simm.s32 $_scs_section_size  }
0x9a: {  	s5 =	simm.s32 $_size__tile_overlayer_lowered;
	s6 =	simm.s32 $_tile_overlayer_lowered  }
0x9b: {  	s22 =	simm.s32 $0x1BFF;
	s21 =	sshll.u32 s6, $0x1;
	s3 =	sadd.s32 s4, s19  }
0x9c: {  	s7 =	simm.s32 $0x0;
	s20 =	sshll.u32 s5, $0x1;
	s5 =	sadd.s32 s21, s3  }
0x9d: {  	[timem:s7], [sflag:s22] =	dma.local [hbm:s5], s20  }
0x9e: {  	_ =	swait.ge [sflag:s22], s20  }
0x9f: {  	s4 =	ssub.s32 $0x0, s20;
	[sflag:s22] =	ssyncset.done $0x0  }
0xa0: {  	[sflag:s22] =	ssyncadd.s32 s4;
	_ =	sdelay $0x1  }
0xa1: {  	s23 =	simm.s32 $0x1B8B  }
0xa2: {  	_ =	swait.ge [sflag:s23], $0x1  }
0xa3: {  	[sflag:s23] =	ssyncset.done $0x0  }
0xa4: {  	s25 =	simm.s32 $0x1B8E;
	s24 =	sld [smem:$0x3FFE];
	[sflag:s23] =	ssyncadd.s32 $0xFFFFFFFF  }
0xa5: {  	s26 =	simm.s32 $execute0_lowered;
	[smem:$0x3FD2] =	sst s25  }
0xa6: {  	s5 =	sshll.u32 s26, $0x1;
	_ =	strace $0x80000049;
	[dreg:$0x1] =	wrdreg $0xFFFFFFFF  }
0xa7: {  	s28 =	simm.s32 $_size_execute0_lowered;
	s3 =	sadd.s32 s3, s5;
	[dreg:$0x0] =	wrdreg $0x0  }
0xa8: {  	s5 =	sshll.u32 s28, $0x1;
	[dreg:$0x2] =	wrdreg s3  }
0xa9: {  	[dreg:$0x3] =	wrdreg s5  }
0xaa: {  	[dreg:$0x4] =	wrdreg $0xC0  }
0xab: {  	_ =	task [dreg:s7], $0x5FFFF  }
0xac: {  	[dreg:$0x1] =	wrdreg $0xFFFFFFFF  }
0xad: {  	[dreg:$0x0] =	wrdreg $0x60  }
0xae: {  	[dreg:$0x2] =	wrdreg s24  }
0xaf: {  	[dreg:$0x3] =	wrdreg s2  }
0xb0: {  	[dreg:$0x4] =	wrdreg $0x1B8000  }
0xb1: {  	[dreg:$0x5] =	wrdreg $0x9  }
0xb2: {  	_ =	task.clear_ibuf [dreg:s7], $0x6FFFF;
	_ =	strace $0x90000049  }
0xb3: {  	s29 =	simm.s32 $0x9;
	_ =	strace $0x8000004B  }
0xb4: {  	_ =	swait.ge [sflag:s29], $0x1  }
0xb5: {  	[sflag:s29] =	ssyncadd.s32 $0xFFFFFFFF  }
0xb6: {  	_ =	strace $0x9000004B  }
0xb7: {  	_ =	sfence  }
0xb8: {  	s30 =	sld [smem:$0x0];
	_ =	sdelay $0x2  }
0xb9: {  	s31 =	sshll.u32 s1, $0xD;
	s1 =	sshrl.u32 s1, $0x2  }
0xba: {  	s3 =	sand.u32 $0x4000, s31;
	s1 =	sadd.s32 s1, s30  }
0xbb: {  	s0 =	sor.u32 s3, s0;
	s1 =	sshll.u32 s1, $0x11  }
0xbc: {  	s0 =	sor.u32 s1, s0  }
0xbd: {  	s0 =	sadd.s32 $0x8F2B, s0  }
0xbe: {  	[sflag:s0] =	ssyncadd.remote.s32 $0x1  }
0xbf: {  	_ =	sfence.sel $0xFFFF  }
0xc0: {  	[dreg:$0x0] =	wrdreg $0xFFFFFFFF;
	(pc) =	sbr.abs _section_cstart, $3  }
0xc1: {  	[dreg:$0x1] =	wrdreg $0xFFFFFFFF  }
0xc2: {  	_ =	task.clear_ibuf [dreg:s7], $0x2FFFF;
	_ =	strace $0x9FFFFFFF  }
0xc3: {  	(tm) =	ssettm $0x7FFFFFFF  }
tec
execute0_lowered:
.L_overlay_start_1:
0x0: {  	(tag) =	ssettag $0x1  }
0x1: {  	s1 =	rddreg [dreg:$0x0]  }
0x2: {  	s2 =	rddreg [dreg:$0x1]  }
0x3: {  	s3 =	rddreg [dreg:$0x2];
	s0 =	srdreg.scid  }
0x4: {  	s5 =	simm.s32 $0x0;
	s4 =	stileid.u32;
	s15 =	simm.s32 $0xC800  }
0x5: {  	s18 =	simm.s32 $0x19000;
	s19 =	simm.s32 $0x19800;
	s20 =	simm.s32 $0x1A000  }
0x6: {  	s21 =	simm.s32 $0x7D0;
	s22 =	simm.s32 $0x1B000;
	s23 =	simm.s32 $0x1A800  }
0x7: {  	s24 =	simm.s32 $0x20;
	s25 =	simm.s32 $0x10;
	s26 =	simm.s32 $0x0  }
0x8: {  	s0 =	sand.u32 $0x1, s0;
	[smem:$0x7FF] =	sst s5;
	s11 =	smul.u32 $0x7D00, s4  }
0x9: {  	s6 =	sadd.s32 $0x30E00, s1;
	s7 =	sadd.s32 $0x61C00, s1;
	s12 =	smul.u32 $0xFA00, s4  }
0xa: {  	s8 =	sadd.s32 $0x63600, s1;
	s9 =	sadd.s32 $0x65000, s1;
	s10 =	smul.u32 $0x7D000, s0  }
0xb: {  	s16 =	sshll.u32 s4, $0x6;
	_ =	strace $0x8000004A;
	s30 =	ssub.s32 $0x2, s0  }
0xc: {  	s0 =	smul.u32 $0x9, s0;
	s16 =	sor.u32 $0x1C01, s16;
	s10 =	sadd.s32 s11, s10  }
0xd: {  	s14 =	sshrl.u32 s30, $0x1;
	s31 =	sshrl.u32 s12, $0x2;
	s10 =	sshrl.u32 s10, $0x3  }
0xe: {  	s14 =	ssub.s32 s30, s14;
	s17 =	sadd.s32 s31, s3;
	s13 =	sadd.s32 s10, s1  }
0xf: {  	s17 =	sshrl.u32 s17, $0x3;
	s10 =	smul.u32 $0x186A0, s4;
	s11 =	sadd.s32 $0x65800, s13  }
0x10: {  	v0 =	vmov s0;
	s12 =	sadd.s32 $0x65810, s13;
	s13 =	smax.u32 s14, $0x1;
	s14 =	simm.s32 $0x1  }
.LBB2_1:
0x11: {  	[tilespmem:s5], [sflag:$0x1] =	stream.linear.gather [hbm4b:s7+s5], $0xC800, $0x38;
	[tilespmem:$0x1F680] =	vst v63  }
0x12: {  	_ =	swait.ge [sflag:s14], $0xC800  }
0x13: {  	[sflag:s14] =	ssyncset.done $0x0  }
0x14: {  	[sflag:s14] =	ssyncadd.s32 $0xFFFF3800  }
0x15: {  	[tilespmem:s15], [sflag:$0x1] =	stream.linear.gather [hbm4b:s8+s5], $0xC800, $0x38;
	[tilespmem:$0x1F680] =	vst v63  }
0x16: {  	_ =	swait.ge [sflag:s14], $0xC800  }
0x17: {  	[sflag:s14] =	ssyncset.done $0x0  }
0x18: {  	[sflag:s14] =	ssyncadd.s32 $0xFFFF3800  }
0x19: {  	[spmem:s17], [sflag:s16] =	dma.local [hbm:s9], $0x7D0  }
0x1a: {  	_ =	swait.ge [sflag:s14], $0x7D0  }
0x1b: {  	[sflag:s14] =	ssyncset.done $0x0  }
0x1c: {  	[sflag:s14] =	ssyncadd.s32 $0xFFFFF830  }
0x1d: {  	s28 =	simm.s32 $0x0;
	[bflag:$0x0] =	sbarrier.arrive $0xFFFF  }
.LBB2_2:
0x1e: {  	s0 =	smul.u32 $0x7D0, s28;
	_ =	sdelay $0x1  }
0x1f: {  	s0 =	sadd.s32 s10, s0  }
0x20: {  	s0 =	sshrl.u32 s0, $0x3  }
0x21: {  	s30 =	simm.s32 $0x0;
	s29 =	sadd.s32 s6, s0  }
0x22: {  	[tilespmem:s18], [sflag:$0x1] =	stream.linear.gather [hbm4b:s29+s30], $0x7D0, $0x38;
	[tilespmem:$0x1F680] =	vst v63  }
0x23: {  	_ =	swait.ge [sflag:s14], $0x7D0  }
0x24: {  	[sflag:s14] =	ssyncset.done $0x0  }
0x25: {  	s29 =	sadd.s32 s1, s0;
	[sflag:s14] =	ssyncadd.s32 $0xFFFFF830  }
0x26: {  	[tilespmem:s19], [sflag:$0x1] =	stream.linear.gather [hbm4b:s29+s30], $0x7D0, $0x38;
	[tilespmem:$0x1F680] =	vst v63  }
0x27: {  	_ =	swait.ge [sflag:s14], $0x7D0  }
0x28: {  	[sflag:s14] =	ssyncset.done $0x0  }
0x29: {  	s0 =	sadd.s32 s2, s0;
	[sflag:s14] =	ssyncadd.s32 $0xFFFFF830  }
0x2a: {  	[tilespmem:s20], [sflag:$0x1] =	stream.linear.gather [hbm4b:s0+s30], $0x7D0, $0x38;
	[tilespmem:$0x1F680] =	vst v63  }
0x2b: {  	_ =	swait.ge [sflag:s14], $0x7D0  }
0x2c: {  	[sflag:s14] =	ssyncset.done $0x0  }
0x2d: {  	s29 =	simm.s32 $0x0;
	[sflag:s14] =	ssyncadd.s32 $0xFFFFF830  }
0x2e: {  	v1 =	vld [tilespmem:s29+$0x19000];
	_ =	sdelay $0x5  }
0x2f: {  	v3 =	vld [tilespmem:s29+$0x19800];
	_ =	sdelay $0x1  }
0x30: {  	v2 =	vld.idx.msk [tilespmem:v1+s15+$0x0], $0xffff;
	_ =	sdelay $0x2  }
0x31: {  	v4 =	vld [tilespmem:s29+$0x1A000]  }
0x32: {  	v1 =	vld.idx.msk [tilespmem:v1+s5+$0x0], $0xffff  }
0x33: {  	v2 =	vsub.s32 v2, v0  }
0x34: {  	s30 =	simm.s32 $0x10;
	v5 =	vld.idx.msk [tilespmem:v3+s5+$0x0], $0xffff;
	v2 =	vmin.u32 v2, $0x9  }
0x35: {  	v6 =	vmul.u32 $0x6400, v2;
	v2 =	vld [tilespmem:s30+$0x19000];
	_ =	sdelay $0x1  }
0x36: {  	vm0 =	vgt.s32 v3, $0x63FF;
	v4 =	vmul.f32 v1, v4;
	v1 =	vadd.s32 $0xFFFF9C00, v3  }
0x37: {  	vm1 =	vlt.u32 v3, $0x6400;
	v3 =	vsel vm0, v1, v3;
	v1 =	vld [tilespmem:s30+$0x19800]  }
0x38: {  	v4 =	vmul.f32 v5, v4  }
0x39: {  	s0 =	simm.s32 $0x80;
	v5 =	vnsel vm1, $0x38400, v6  }
.LBB2_3:
0x3a: {  	p0 =	sne.s32 s0, $0x1F00;
	[tilespmem:s29+$0x1A800] =	vst v4;
	v3 =	vadd.s32 v3, v5;
	s31 =	smov.u32 s0;
	s0 =	sadd.s32 $0x40, s0  }
0x3b: {  	[tilespmem:s29+$0x1B000] =	vst v3;
	s29 =	smov.u32 s30  }
0x3c: {  	v4 =	vld.idx.msk [tilespmem:v2+s15+$0x0], $0xffff;
	vm0 =	vgt.s32 v1, $0x63FF;
	v3 =	vadd.s32 $0xFFFF9C00, v1;
	v5 =	vmov v1  }
0x3d: {  	v6 =	vld.idx.msk [tilespmem:v2+s5+$0x0], $0xffff;
	v3 =	vsel vm0, v3, v5  }
0x3e: {  	v7 =	vld [tilespmem:s29+$0x1A000]  }
0x3f: {  	s30 =	sshra.s32 s31, $0x2;
	v8 =	vld.idx.msk [tilespmem:v1+s5+$0x0], $0xffff  }
0x40: {  	v2 =	vld [tilespmem:s30+$0x19000];
	_ =	sdelay $0x1  }
.Ltmp0:
0x41: {  	v1 =	vsub.s32 v4, v0;
	(pc) =	sbr.rel @p0 .LBB2_3-.Ltmp0, $4  }
0x42: {  	v4 =	vmin.u32 v1, $0x9;
	v6 =	vmul.f32 v6, v7  }
0x43: {  	v7 =	vmul.u32 $0x6400, v4;
	v1 =	vld [tilespmem:s30+$0x19800]  }
0x44: {  	vm0 =	vlt.u32 v5, $0x6400;
	v4 =	vmul.f32 v8, v6  }
0x45: {  	v5 =	vnsel vm0, $0x38400, v7  }
0x46: {  	_ =	sdelay $0x1  }
0x47: {  	[tilespmem:s29+$0x1A800] =	vst v4;
	v3 =	vadd.s32 v3, v5  }
0x48: {  	[tilespmem:s29+$0x1B000] =	vst v3  }
0x49: {  	v3 =	vld.idx.msk [tilespmem:v2+s15+$0x0], $0xffff  }
0x4a: {  	v2 =	vld.idx.msk [tilespmem:v2+s5+$0x0], $0xffff  }
0x4b: {  	v4 =	vld [tilespmem:s30+$0x1A000];
	_ =	sdelay $0x1  }
0x4c: {  	v62 =	vld.idx.msk [tilespmem:v1+s5+$0x0], $0xffff;
	_ =	sdelay $0x1  }
0x4d: {  	v3 =	vsub.s32 v3, v0  }
0x4e: {  	v2 =	vmul.f32 v2, v4;
	v3 =	vmin.u32 v3, $0x9  }
0x4f: {  	vm0 =	vgt.s32 v1, $0x63FF;
	v3 =	vmul.u32 $0x6400, v3  }
0x50: {  	v63 =	vadd.s32 $0xFFFF9C00, v1;
	vm1 =	vlt.u32 v1, $0x6400;
	v2 =	vmul.f32 v62, v2  }
0x51: {  	s28 =	sadd.s32 $0x1, s28;
	v1 =	vsel vm0, v63, v1;
	v3 =	vnsel vm1, $0x38400, v3  }
0x52: {  	p0 =	sne.s32 s28, $0x32;
	[tilespmem:s30+$0x1A800] =	vst v2;
	v1 =	vadd.s32 v1, v3  }
.Ltmp1:
0x53: {  	[tilespmem:s30+$0x1B000] =	vst v1;
	(pc) =	sbr.rel @p0 .LBB2_2-.Ltmp1, $4  }
0x54: {  	[spmem:s3] =	stream.indirect.scatter.add.f32 [tilespmem:s23], [sflag:$0x1], $0x1, s22, s21, $0xb8;
	[tilespmem:$0x1F680] =	vst v63  }
0x55: {  	_ =	swait.ge [sflag:s14], $0x7D0  }
0x56: {  	[sflag:s14] =	ssyncset.done $0x0  }
0x57: {  	[sflag:s14] =	ssyncadd.s32 $0xFFFFF830  }
0x58: {  	[bflag:$0x0] =	sbarrier.arrive $0xFFFF  }
0x59: {  	[hbm:s11@s24], [sflag:s16] =	dma.strided [spmem:s17@s25], $0x7D0, s14, $0x10   }
0x5a: {  	_ =	swait.ge [sflag:s14], $0x7D0  }
0x5b: {  	[sflag:s14] =	ssyncset.done $0x0  }
0x5c: {  	[sflag:s14] =	ssyncadd.s32 $0xFFFFF830  }
0x5d: {  	[spmem:s17], [sflag:s16] =	dma.local [hbm:s9], $0x7D0  }
0x5e: {  	_ =	swait.ge [sflag:s14], $0x7D0  }
0x5f: {  	[sflag:s14] =	ssyncset.done $0x0  }
0x60: {  	[sflag:s14] =	ssyncadd.s32 $0xFFFFF830  }
0x61: {  	s28 =	simm.s32 $0x0;
	s29 =	simm.s32 $0x0;
	[bflag:$0x0] =	sbarrier.arrive $0xFFFF  }
.LBB2_6:
0x62: {  	s0 =	smul.u32 $0x7D0, s29;
	_ =	sdelay $0x1  }
0x63: {  	s0 =	sadd.s32 s10, s0  }
0x64: {  	s0 =	sshrl.u32 s0, $0x3  }
0x65: {  	s30 =	sadd.s32 s6, s0  }
0x66: {  	[tilespmem:s18], [sflag:$0x1] =	stream.linear.gather [hbm4b:s30+s28], $0x7D0, $0x38;
	[tilespmem:$0x1F680] =	vst v63  }
0x67: {  	_ =	swait.ge [sflag:s14], $0x7D0  }
0x68: {  	[sflag:s14] =	ssyncset.done $0x0  }
0x69: {  	s30 =	sadd.s32 s1, s0;
	[sflag:s14] =	ssyncadd.s32 $0xFFFFF830  }
0x6a: {  	[tilespmem:s19], [sflag:$0x1] =	stream.linear.gather [hbm4b:s30+s28], $0x7D0, $0x38;
	[tilespmem:$0x1F680] =	vst v63  }
0x6b: {  	_ =	swait.ge [sflag:s14], $0x7D0  }
0x6c: {  	[sflag:s14] =	ssyncset.done $0x0  }
0x6d: {  	s0 =	sadd.s32 s2, s0;
	[sflag:s14] =	ssyncadd.s32 $0xFFFFF830  }
0x6e: {  	[tilespmem:s20], [sflag:$0x1] =	stream.linear.gather [hbm4b:s0+s28], $0x7D0, $0x38;
	[tilespmem:$0x1F680] =	vst v63  }
0x6f: {  	_ =	swait.ge [sflag:s14], $0x7D0  }
0x70: {  	[sflag:s14] =	ssyncset.done $0x0  }
0x71: {  	s30 =	simm.s32 $0x0;
	[sflag:s14] =	ssyncadd.s32 $0xFFFFF830  }
0x72: {  	v1 =	vld [tilespmem:s30+$0x19000];
	_ =	sdelay $0x5  }
0x73: {  	v4 =	vld [tilespmem:s30+$0x19800];
	_ =	sdelay $0x1  }
0x74: {  	v2 =	vld.idx.msk [tilespmem:v1+s15+$0x0], $0xffff;
	_ =	sdelay $0x2  }
0x75: {  	v3 =	vld [tilespmem:s30+$0x1A000]  }
0x76: {  	v1 =	vld.idx.msk [tilespmem:v1+s5+$0x0], $0xffff  }
0x77: {  	v2 =	vsub.s32 v2, v0  }
0x78: {  	s31 =	simm.s32 $0x10;
	v5 =	vld.idx.msk [tilespmem:v4+s5+$0x0], $0xffff;
	v2 =	vmin.u32 v2, $0x9  }
0x79: {  	v7 =	vmul.u32 $0x6400, v2;
	v2 =	vld [tilespmem:s31+$0x19000];
	_ =	sdelay $0x1  }
0x7a: {  	v3 =	vmul.f32 v1, v3  }
0x7b: {  	v6 =	vadd.s32 $0xFFFF9C00, v4;
	v1 =	vld [tilespmem:s31+$0x19800]  }
0x7c: {  	vm0 =	vgt.s32 v4, $0x63FF;
	vm1 =	vlt.u32 v6, $0x6400;
	v3 =	vmul.f32 v5, v3  }
0x7d: {  	s0 =	simm.s32 $0x80;
	v4 =	vsel vm0, v6, v4;
	v5 =	vnsel vm1, $0x38400, v7  }
.LBB2_7:
0x7e: {  	p0 =	sne.s32 s0, $0x1F00;
	[tilespmem:s30+$0x1A800] =	vst v3;
	v3 =	vadd.s32 v4, v5;
	s4 =	smov.u32 s0;
	s0 =	sadd.s32 $0x40, s0  }
0x7f: {  	[tilespmem:s30+$0x1B000] =	vst v3;
	s30 =	smov.u32 s31  }
0x80: {  	v3 =	vld.idx.msk [tilespmem:v2+s15+$0x0], $0xffff;
	v4 =	vmov v1  }
0x81: {  	v5 =	vld.idx.msk [tilespmem:v2+s5+$0x0], $0xffff  }
0x82: {  	v6 =	vld [tilespmem:s30+$0x1A000]  }
0x83: {  	s31 =	sshra.s32 s4, $0x2;
	v7 =	vld.idx.msk [tilespmem:v1+s5+$0x0], $0xffff  }
0x84: {  	v2 =	vld [tilespmem:s31+$0x19000];
	_ =	sdelay $0x1  }
.Ltmp2:
0x85: {  	v1 =	vsub.s32 v3, v0;
	(pc) =	sbr.rel @p0 .LBB2_7-.Ltmp2, $4  }
0x86: {  	v3 =	vmin.u32 v1, $0x9;
	v5 =	vmul.f32 v5, v6  }
0x87: {  	v6 =	vadd.s32 $0xFFFF9C00, v4;
	v8 =	vmul.u32 $0x6400, v3;
	v1 =	vld [tilespmem:s31+$0x19800]  }
0x88: {  	vm0 =	vgt.s32 v4, $0x63FF;
	vm1 =	vlt.u32 v6, $0x6400;
	v3 =	vmul.f32 v7, v5  }
0x89: {  	v4 =	vsel vm0, v6, v4;
	v5 =	vnsel vm1, $0x38400, v8  }
0x8a: {  	_ =	sdelay $0x1  }
0x8b: {  	[tilespmem:s30+$0x1A800] =	vst v3;
	v3 =	vadd.s32 v4, v5  }
0x8c: {  	[tilespmem:s30+$0x1B000] =	vst v3  }
0x8d: {  	v3 =	vld.idx.msk [tilespmem:v2+s15+$0x0], $0xffff  }
0x8e: {  	v2 =	vld.idx.msk [tilespmem:v2+s5+$0x0], $0xffff  }
0x8f: {  	v61 =	vld [tilespmem:s31+$0x1A000];
	_ =	sdelay $0x1  }
0x90: {  	v62 =	vld.idx.msk [tilespmem:v1+s5+$0x0], $0xffff;
	_ =	sdelay $0x1  }
0x91: {  	v3 =	vsub.s32 v3, v0  }
0x92: {  	v2 =	vmul.f32 v2, v61;
	v3 =	vmin.u32 v3, $0x9  }
0x93: {  	v63 =	vadd.s32 $0xFFFF9C00, v1;
	v3 =	vmul.u32 $0x6400, v3  }
0x94: {  	vm0 =	vgt.s32 v1, $0x63FF;
	vm1 =	vlt.u32 v63, $0x6400;
	v2 =	vmul.f32 v62, v2  }
0x95: {  	s29 =	sadd.s32 $0x1, s29;
	v1 =	vsel vm0, v63, v1;
	v3 =	vnsel vm1, $0x38400, v3  }
0x96: {  	p0 =	sne.s32 s29, $0x32;
	[tilespmem:s31+$0x1A800] =	vst v2;
	v1 =	vadd.s32 v1, v3  }
.Ltmp3:
0x97: {  	[tilespmem:s31+$0x1B000] =	vst v1;
	(pc) =	sbr.rel @p0 .LBB2_6-.Ltmp3, $4  }
0x98: {  	[spmem:s3] =	stream.indirect.scatter.add.f32 [tilespmem:s23], [sflag:$0x1], $0x1, s22, s21, $0xb8;
	[tilespmem:$0x1F680] =	vst v63  }
0x99: {  	_ =	swait.ge [sflag:s14], $0x7D0  }
0x9a: {  	[sflag:s14] =	ssyncset.done $0x0  }
0x9b: {  	[sflag:s14] =	ssyncadd.s32 $0xFFFFF830  }
0x9c: {  	s26 =	sadd.s32 $0x1, s26  }
0x9d: {  	p0 =	sne.s32 s26, s13  }
.Ltmp4:
0x9e: {  	[bflag:$0x0] =	sbarrier.arrive $0xFFFF;
	(pc) =	sbr.rel @p0 .LBB2_1-.Ltmp4, $4  }
0x9f: {  	[hbm:s12@s24], [sflag:s16] =	dma.strided [spmem:s17@s25], $0x7D0, s14, $0x10   }
0xa0: {  	_ =	swait.ge [sflag:s14], $0x7D0  }
0xa1: {  	[sflag:s14] =	ssyncset.done $0x0  }
0xa2: {  	[sflag:s14] =	ssyncadd.s32 $0xFFFFF830  }
0xa3: {  	_ =	sfence.sel $0x180000  }
0xa4: {  	[bflag:$0x0] =	sbarrier.arrive $0xFFFF  }
0xa5: {  	_ =	strace $0x9000004A  }
0xa6: {  	s0 =	stileid.u32;
	[bflag:$0x2] =	sbarrier.arrive $0xFFFF  }
0xa7: {  	p0 =	sne.s32 s0, $0x0;
	s0 =	rddreg [dreg:$0x3]  }
0xa8: {  	s0 =	sadd.s32 @!p0 $0x100000, s0  }
0xa9: {  	[sflag:s0] =	ssyncadd.tile.s32 @!p0 $0x1;
	_ =	shalt  }
.Lfunc_end2:
_tile_overlayer_lowered:
.L_overlay_start_2:
0xaa: {  	(tag) =	ssettag $0x2  }
0xab: {  	s0 =	rddreg [dreg:$0x0];
	s2 =	stileid.u32  }
0xac: {  	s1 =	rddreg [dreg:$0x1];
	p0 =	sne.s32 s2, $0x0  }
0xad: {  	s3 =	rddreg [dreg:$0x2];
	[bflag:$0x3] =	sbarrier.arrive $0xFFFF;
	s2 =	simm.s32 @!p0 $0x1C01  }
0xae: {  	[timem:s3], [sflag:s2] =	dma.local @!p0 [hbm:s0], s1  }
0xaf: {  	s0 =	simm.s32 @!p0 $0x1  }
0xb0: {  	_ =	swait.ge @!p0 [sflag:s0], s1  }
0xb1: {  	s1 =	ssub.s32 @!p0 $0x0, s1;
	[sflag:s0] =	ssyncset.done @!p0 $0x0  }
0xb2: {  	[sflag:s0] =	ssyncadd.s32 @!p0 s1  }
0xb3: {  	[bflag:$0x3] =	sbarrier.arrive $0xFFFF  }
0xb4: {  	_ =	shalt  }

</sc_bundles>
